<compile_context>
chip_gen: v7x
topology: tpu7x:2x2x1
jax: 0.10.2.dev20260603
libtpu: 0.0.44.dev20260713+nightly
codegen_flags: <defaults>
</compile_context>

<pallas_src>
import functools

import jax
import jax.numpy as jnp
from jax import lax
from jax.experimental import pallas as pl
from jax.experimental.pallas import tpu as pltpu
from jax.experimental.pallas import tpu_sc as plsc

_B, _N, _CIN = 8, 4096, 64
_S = _N // 4
_K = 32
_R2 = 0.2 ** 2
_NR = _N // 128
_CPW = (_B * _S) // 32
_TC = 256


def _fps_body(xyzp_ref, xyzs_ref, npl_ref, dists_ref):
    lin = (lax.broadcasted_iota(jnp.int32, (_NR, 128), 0) * 128
           + lax.broadcasted_iota(jnp.int32, (_NR, 128), 1))
    big = jnp.int32(1 << 30)
    for u in range(2):
        dists_ref[u] = jnp.full((_NR, 128), 1e10, jnp.float32)

    def body(i, carry):
        f0, f1 = carry
        fs = []
        for u, f in ((0, f0), (1, f1)):
            cx = xyzs_ref[0, u, 0, f]
            cy = xyzs_ref[0, u, 1, f]
            cz = xyzs_ref[0, u, 2, f]
            npl_ref[0, u, 0, i] = cx
            npl_ref[0, u, 1, i] = cy
            npl_ref[0, u, 2, i] = cz
            dx = xyzp_ref[0, u, 0] - cx
            dy = xyzp_ref[0, u, 1] - cy
            dz = xyzp_ref[0, u, 2] - cz
            d = (dx * dx + dy * dy) + dz * dz
            nd = jnp.minimum(dists_ref[u], d)
            dists_ref[u] = nd
            m = jnp.max(nd)
            fs.append(jnp.min(jnp.where(nd == m, lin, big)))
        return fs[0], fs[1]

    lax.fori_loop(0, _S, body, (jnp.int32(0), jnp.int32(0)))


def _fps(xyzp4, xyzs):
    return pl.pallas_call(
        _fps_body,
        grid=(_B // 2,),
        in_specs=[
            pl.BlockSpec((1, 2, 3, _NR, 128), lambda b: (b, 0, 0, 0, 0)),
            pl.BlockSpec((1, 2, 3, _N), lambda b: (b, 0, 0, 0),
                         memory_space=pltpu.SMEM),
        ],
        out_specs=pl.BlockSpec((1, 2, 3, _S), lambda b: (b, 0, 0, 0),
                               memory_space=pltpu.SMEM),
        out_shape=jax.ShapeDtypeStruct((_B // 2, 2, 3, _S), jnp.float32),
        scratch_shapes=[pltpu.VMEM((2, _NR, 128), jnp.float32)],
    )(xyzp4, xyzs)


def _prep_body(xyz8_ref, ft_ref, nx8_ref, w1x_ref, w1f_ref, b1_ref,
               t_ref, cc_ref):
    w1x = w1x_ref[...]
    tv = (jnp.dot(xyz8_ref[0], w1x, preferred_element_type=jnp.float32)
          + jnp.dot(ft_ref[0], w1f_ref[...],
                    preferred_element_type=jnp.float32)
          + b1_ref[...])
    t_ref[0] = jnp.concatenate(
        [tv, jnp.zeros((_N, 64), jnp.float32)], axis=1)
    cc_ref[0] = jnp.dot(nx8_ref[0], w1x, preferred_element_type=jnp.float32)


def _prep(xyz8, featsT, nxyz8, w1x8, w1f, b1r):
    return pl.pallas_call(
        _prep_body,
        grid=(_B,),
        in_specs=[
            pl.BlockSpec((1, _N, 8), lambda b: (b, 0, 0)),
            pl.BlockSpec((1, _N, _CIN), lambda b: (b, 0, 0)),
            pl.BlockSpec((1, _S, 8), lambda b: (b, 0, 0)),
            pl.BlockSpec((8, 64), lambda b: (0, 0)),
            pl.BlockSpec((_CIN, 64), lambda b: (0, 0)),
            pl.BlockSpec((1, 64), lambda b: (0, 0)),
        ],
        out_specs=[
            pl.BlockSpec((1, _N, 128), lambda b: (b, 0, 0)),
            pl.BlockSpec((1, _S, 64), lambda b: (b, 0, 0)),
        ],
        out_shape=[
            jax.ShapeDtypeStruct((_B, _N, 128), jnp.float32),
            jax.ShapeDtypeStruct((_B, _S, 64), jnp.float32),
        ],
    )(xyz8, featsT, nxyz8, w1x8, w1f, b1r)


def _ballq_body(xyzpl, nxyzpl, t2, g_out,
                x_v, y_v, z_v, nx_v, ny_v, nz_v, idxT, idxbuf, rows_v, sem):
    wid = lax.axis_index("s") * 2 + lax.axis_index("c")
    b = wid // 4
    q = wid % 4
    c0 = q * _CPW

    pltpu.sync_copy(xyzpl.at[b * 3 + 0], x_v)
    pltpu.sync_copy(xyzpl.at[b * 3 + 1], y_v)
    pltpu.sync_copy(xyzpl.at[b * 3 + 2], z_v)
    pltpu.sync_copy(nxyzpl.at[b * 3 + 0, pl.ds(c0, _CPW)],
                    nx_v.at[pl.ds(0, _CPW)])
    pltpu.sync_copy(nxyzpl.at[b * 3 + 1, pl.ds(c0, _CPW)],
                    ny_v.at[pl.ds(0, _CPW)])
    pltpu.sync_copy(nxyzpl.at[b * 3 + 2, pl.ds(c0, _CPW)],
                    nz_v.at[pl.ds(0, _CPW)])

    lane = lax.iota(jnp.int32, 16)
    gbase = b * _N

    def per_center(cl, _):
        cx = nx_v[pl.ds(cl, 16)][0]
        cy = ny_v[pl.ds(cl, 16)][0]
        cz = nz_v[pl.ds(cl, 16)][0]

        def super_chunk(t, cnt):
            def scan_chunk(c2):
                for u in range(16):
                    base = t * 256 + u * 16
                    xv = x_v[pl.ds(base, 16)]
                    yv = y_v[pl.ds(base, 16)]
                    zv = z_v[pl.ds(base, 16)]
                    dx = xv - cx
                    dy = yv - cy
                    dz = zv - cz
                    d2 = (dx * dx + dy * dy) + dz * dz
                    m = d2 <= _R2
                    plsc.store_compressed(idxbuf.at[pl.ds(c2, 16)],
                                          lane + (gbase + base), mask=m)
                    c2 = c2 + plsc.all_reduce_population_count(m)[0]
                return c2

            return lax.cond(cnt < _K, scan_chunk, lambda c2: c2, cnt)

        cnt = lax.fori_loop(0, _N // 256, super_chunk, jnp.int32(0))

        v1 = idxbuf[pl.ds(0, 16)]
        v2 = idxbuf[pl.ds(16, 16)]
        first = v1[0]
        vf1 = jnp.where(lane < cnt, v1, first)
        vf2 = jnp.where(lane + 16 < cnt, v2, first)
        plsc.store_scatter(idxT, [lane * _CPW + cl], vf1)
        plsc.store_scatter(idxT, [(lane + 16) * _CPW + cl], vf2)
        return 0

    lax.fori_loop(0, _CPW, per_center, 0)

    row0 = (b * _K) * _S + c0

    def emit(j, _):
        pltpu.async_copy(t2.at[idxT.at[pl.ds(j * _CPW, _CPW)]],
                         rows_v, sem).wait()
        pltpu.sync_copy(rows_v, g_out.at[pl.ds(row0 + j * _S, _CPW)])
        return 0

    lax.fori_loop(0, _K, emit, 0)


def _ballq(xyzpl, nxyzpl, t2):
    mesh = plsc.VectorSubcoreMesh(core_axis_name="c", subcore_axis_name="s")
    kfn = pl.kernel(
        _ballq_body,
        out_type=jax.ShapeDtypeStruct((_B * _K * _S, 128), jnp.float32),
        mesh=mesh,
        compiler_params=pltpu.CompilerParams(needs_layout_passes=False),
        scratch_types=[
            pltpu.VMEM((_N,), jnp.float32),
            pltpu.VMEM((_N,), jnp.float32),
            pltpu.VMEM((_N,), jnp.float32),
            pltpu.VMEM((_CPW + 16,), jnp.float32),
            pltpu.VMEM((_CPW + 16,), jnp.float32),
            pltpu.VMEM((_CPW + 16,), jnp.float32),
            pltpu.VMEM((_K * _CPW,), jnp.int32),
            pltpu.VMEM((320,), jnp.int32),
            pltpu.VMEM((_CPW, 128), jnp.float32),
            pltpu.SemaphoreType.DMA,
        ],
    )
    return kfn(xyzpl, nxyzpl, t2)


def _mlp_body(g_ref, cc_ref, w2_ref, b2_ref, w3_ref, b3_ref, out_ref):
    cc = cc_ref[0]
    w2 = w2_ref[...]
    b2 = b2_ref[...]
    w3 = w3_ref[...]
    b3 = b3_ref[...]

    def body(j, acc):
        h1 = jnp.maximum(g_ref[0, j][:, 0:64] - cc, 0.0)
        h2 = jnp.maximum(
            jnp.dot(h1, w2, preferred_element_type=jnp.float32) + b2, 0.0)
        h3 = jnp.maximum(
            jnp.dot(h2, w3, preferred_element_type=jnp.float32) + b3, 0.0)
        return jnp.maximum(acc, h3)

    out_ref[0] = lax.fori_loop(
        0, _K, body, jnp.full((_TC, 128), -jnp.inf, jnp.float32))


def _mlp(g4, cc, w2, b2r, w3, b3r):
    return pl.pallas_call(
        _mlp_body,
        grid=(_B, _S // _TC),
        in_specs=[
            pl.BlockSpec((1, _K, _TC, 128), lambda b, t: (b, 0, t, 0)),
            pl.BlockSpec((1, _TC, 64), lambda b, t: (b, t, 0)),
            pl.BlockSpec((64, 64), lambda b, t: (0, 0)),
            pl.BlockSpec((1, 64), lambda b, t: (0, 0)),
            pl.BlockSpec((64, 128), lambda b, t: (0, 0)),
            pl.BlockSpec((1, 128), lambda b, t: (0, 0)),
        ],
        out_specs=pl.BlockSpec((1, _TC, 128), lambda b, t: (b, t, 0)),
        out_shape=jax.ShapeDtypeStruct((_B, _S, 128), jnp.float32),
    )(g4, cc, w2, b2r, w3, b3r)


def kernel(xyz, features, W1, b1, W2, b2, W3, b3):
    xyzp = jnp.transpose(xyz, (0, 2, 1))
    npl = _fps(xyzp.reshape(_B // 2, 2, 3, _NR, 128),
               xyzp.reshape(_B // 2, 2, 3, _N)).reshape(_B, 3, _S)
    new_xyz = jnp.transpose(npl, (0, 2, 1))

    zeros5n = jnp.zeros((_B, _N, 5), jnp.float32)
    zeros5s = jnp.zeros((_B, _S, 5), jnp.float32)
    xyz8 = jnp.concatenate([xyz, zeros5n], axis=-1)
    nxyz8 = jnp.concatenate([new_xyz, zeros5s], axis=-1)
    featsT = jnp.transpose(features, (0, 2, 1))
    w1x8 = jnp.concatenate([W1[:3], jnp.zeros((5, 64), jnp.float32)], axis=0)

    t_tab, cc = _prep(xyz8, featsT, nxyz8, w1x8, W1[3:], b1.reshape(1, 64))

    g = _ballq(xyzp.reshape(_B * 3, _N), npl.reshape(_B * 3, _S),
               t_tab.reshape(_B * _N, 128))

    out = _mlp(g.reshape(_B, _K, _S, 128), cc, W2, b2.reshape(1, 64),
               W3, b3.reshape(1, 128))
    return new_xyz, jnp.transpose(out, (0, 2, 1))

# --- scband reference (transcript-rebuilt; emitter-appended) ---
"""Pipeline reference for scband-point-net2-samodule-base-5007931867444 (READ-ONLY COPY).

The authoritative reference and input builder live on the scoring server;
editing this copy changes nothing except your own understanding.
"""

import jax, jax.numpy as jnp
import numpy as np

B, N, CIN = 8, 4096, 64
NPOINT = N // 4  # module sets npoint = N0 // 4 when None
NSAMPLE = 32
RADIUS = 0.2


def setup_inputs(seed: int = 0):
    key = jax.random.key(seed)
    ks = jax.random.split(key, 8)
    xyz = jax.random.uniform(ks[0], (B, N, 3), dtype=jnp.float32)
    features = jax.random.normal(ks[1], (B, CIN, N), dtype=jnp.float32)
    W1 = jax.random.normal(ks[2], (3 + CIN, 64), dtype=jnp.float32) * 0.05
    b1 = jnp.zeros((64,), dtype=jnp.float32)
    W2 = jax.random.normal(ks[3], (64, 64), dtype=jnp.float32) * 0.05
    b2 = jnp.zeros((64,), dtype=jnp.float32)
    W3 = jax.random.normal(ks[4], (64, 128), dtype=jnp.float32) * 0.05
    b3 = jnp.zeros((128,), dtype=jnp.float32)
    return {"xyz": xyz, "features": features, "W1": W1, "b1": b1,
            "W2": W2, "b2": b2, "W3": W3, "b3": b3}


def furthest_point_sample(xyz, npoint):
    b, n, _ = xyz.shape

    def body(i, state):
        dists, farthest, idxs = state
        idxs = idxs.at[:, i].set(farthest)
        centroid = jnp.take_along_axis(
            xyz, jnp.broadcast_to(farthest[:, None, None], (b, 1, 3)), axis=1)
        d = jnp.sum((xyz - centroid) ** 2, axis=-1)
        dists = jnp.minimum(dists, d)
        farthest = jnp.argmax(dists, axis=-1).astype(jnp.int32)
        return (dists, farthest, idxs)

    state = (jnp.full((b, n), 1e10, dtype=jnp.float32),
             jnp.zeros((b,), dtype=jnp.int32),
             jnp.zeros((b, npoint), dtype=jnp.int32))
    _, _, idxs = jax.lax.fori_loop(0, npoint, body, state)
    return idxs


def ball_query(xyz, new_xyz, radius, nsample):
    b, n, _ = xyz.shape
    d2 = jnp.sum((new_xyz[:, :, None, :] - xyz[:, None, :, :]) ** 2, axis=-1)
    mask = d2 <= radius ** 2
    key = jnp.where(mask, jnp.arange(n, dtype=jnp.int32)[None, None, :], n)
    neg_top, _ = jax.lax.top_k(-key, nsample)
    keys = -neg_top
    first = keys[..., :1]
    return jnp.where(keys == n, first, keys)


def batched_gather(points, idx):
    return jax.vmap(lambda p, i: p[i])(points, idx)


def reference(xyz, features, W1, b1, W2, b2, W3, b3):
    # furthest point sampling -> gather new centers
    fps_idx = furthest_point_sample(xyz, NPOINT)
    new_xyz = jnp.take_along_axis(
        xyz, jnp.broadcast_to(fps_idx[:, :, None], (xyz.shape[0], NPOINT, 3)), axis=1)
    # ball-query grouping (radius neighborhood, nsample per center)
    idx = ball_query(xyz, new_xyz, RADIUS, NSAMPLE)
    grouped_xyz = batched_gather(xyz, idx) - new_xyz[:, :, None, :]  # (B,S,ns,3)
    feats = jnp.transpose(features, (0, 2, 1))  # (B,N,C)
    grouped_feats = batched_gather(feats, idx)  # (B,S,ns,C)
    h = jnp.concatenate([grouped_xyz, grouped_feats], axis=-1)  # (B,S,ns,3+C)
    # shared MLP (1x1 conv stack) + max aggregation
    h = jax.nn.relu(h @ W1 + b1)
    h = jax.nn.relu(h @ W2 + b2)
    h = jax.nn.relu(h @ W3 + b3)
    pooled = jnp.max(h, axis=2)  # (B,S,Cout)
    new_features = jnp.transpose(pooled, (0, 2, 1))  # (B,Cout,S)
    return new_xyz, new_features

if __name__ == "__main__":
    import jax
    _d = setup_inputs()
    print(jax.jit(kernel)(*tuple(_d.values())))

</pallas_src>

<mosaic_0001>
#map = affine_map<(d0, d1) -> (0, 0)>
module attributes {stable_mosaic.version = 14 : i64} {
  func.func @_ballq_body(%arg0: i32, %arg1: i32, %arg2: memref<24x4096xf32, #tpu.memory_space<hbm>>, %arg3: memref<24x1024xf32, #tpu.memory_space<hbm>>, %arg4: memref<32768x128xf32, #tpu.memory_space<hbm>>, %arg5: memref<262144x128xf32, #tpu.memory_space<hbm>>, %arg6: memref<4096xf32, #tpu.memory_space<vmem>>, %arg7: memref<4096xf32, #tpu.memory_space<vmem>>, %arg8: memref<4096xf32, #tpu.memory_space<vmem>>, %arg9: memref<272xf32, #tpu.memory_space<vmem>>, %arg10: memref<272xf32, #tpu.memory_space<vmem>>, %arg11: memref<272xf32, #tpu.memory_space<vmem>>, %arg12: memref<8192xi32, #tpu.memory_space<vmem>>, %arg13: memref<320xi32, #tpu.memory_space<vmem>>, %arg14: memref<256x128xf32, #tpu.memory_space<vmem>>, %arg15: memref<!tpu.dma_semaphore, #tpu.memory_space<semaphore_mem>>) attributes {dimension_semantics = [#tpu.dimension_semantics<core_parallel>, #tpu.dimension_semantics<subcore_parallel>], iteration_bounds = array<i64: 2, 16>, scalar_prefetch = 0 : i64, scratch_operands = 10 : i64, tpu.core_type = #tpu.core_type<sc_vector_subcore>, window_params = [{transform_indices = #map}, {transform_indices = #map}, {transform_indices = #map}, {transform_indices = #map}]} {
    %mul3A = arith.constant 2 : i32
    %mul3A_0 = arith.muli %arg1, %mul3A : i32
    %add3A = arith.addi %mul3A_0, %arg0 : i32
    %jit3A = arith.constant 4 : i32
    %div3A = arith.divsi %add3A, %jit3A : i32
    %sign3A = arith.constant 0 : i32
    %sign3A_1 = arith.cmpi sgt, %add3A, %sign3A : i32
    %sign3A_2 = arith.extui %sign3A_1 : i1 to i32
    %sign3A_3 = arith.constant 0 : i32
    %sign3A_4 = arith.cmpi slt, %add3A, %sign3A_3 : i32
    %sign3A_5 = arith.extui %sign3A_4 : i1 to i32
    %sign3A_6 = arith.subi %sign3A_2, %sign3A_5 : i32
    %sign3A_7 = arith.constant 0 : i32
    %sign3A_8 = arith.cmpi sgt, %jit3A, %sign3A_7 : i32
    %sign3A_9 = arith.extui %sign3A_8 : i1 to i32
    %sign3A_10 = arith.constant 0 : i32
    %sign3A_11 = arith.cmpi slt, %jit3A, %sign3A_10 : i32
    %sign3A_12 = arith.extui %sign3A_11 : i1 to i32
    %sign3A_13 = arith.subi %sign3A_9, %sign3A_12 : i32
    %ne3A = arith.cmpi ne, %sign3A_6, %sign3A_13 : i32
    %rem3A = arith.remsi %add3A, %jit3A : i32
    %ne3A_14 = arith.constant 0 : i32
    %ne3A_15 = arith.cmpi ne, %rem3A, %ne3A_14 : i32
    %and3A = arith.andi %ne3A, %ne3A_15 : i1
    %sub3A = arith.constant 1 : i32
    %sub3A_16 = arith.subi %div3A, %sub3A : i32
    %select_n3A = arith.select %and3A, %sub3A_16, %div3A : i32
    %jit3A_17 = arith.constant 4 : i32
    %eq3A = arith.constant 0 : i32
    %eq3A_18 = arith.cmpi eq, %jit3A_17, %eq3A : i32
    %jit3A_19 = arith.constant 1 : i32
    %select_n3A_20 = arith.select %eq3A_18, %jit3A_19, %jit3A_17 : i32
    %rem3A_21 = arith.remsi %add3A, %select_n3A_20 : i32
    %ne3A_22 = arith.constant 0 : i32
    %ne3A_23 = arith.cmpi ne, %rem3A_21, %ne3A_22 : i32
    %lt3A = arith.constant 0 : i32
    %lt3A_24 = arith.cmpi slt, %rem3A_21, %lt3A : i32
    %lt3A_25 = arith.constant 0 : i32
    %lt3A_26 = arith.cmpi slt, %select_n3A_20, %lt3A_25 : i32
    %ne3A_27 = arith.xori %lt3A_24, %lt3A_26 : i1
    %and3A_28 = arith.andi %ne3A_27, %ne3A_23 : i1
    %add3A_29 = arith.addi %rem3A_21, %select_n3A_20 : i32
    %select_n3A_30 = arith.select %and3A_28, %add3A_29, %rem3A_21 : i32
    %mul3A_31 = arith.constant 256 : i32
    %mul3A_32 = arith.muli %select_n3A_30, %mul3A_31 : i32
    %mul3A_33 = arith.constant 3 : i32
    %mul3A_34 = arith.muli %select_n3A, %mul3A_33 : i32
    %add3A_35 = arith.constant 0 : i32
    %add3A_36 = arith.addi %mul3A_34, %add3A_35 : i32
    "tpu.region"() ({
      %run_scoped3A = tpu.sem_alloc : memref<!tpu.dma_semaphore, #tpu.memory_space<semaphore_mem>>
      %dma_start3A = arith.constant 0 : i32
      %dma_start3A_77 = tpu.memref_slice %arg2[%add3A_36, %dma_start3A] : memref<24x4096xf32, #tpu.memory_space<hbm>> -> memref<1x4096xf32, #tpu.memory_space<hbm>>
      %dma_start3A_78 = tpu.memref_squeeze %dma_start3A_77 : memref<1x4096xf32, #tpu.memory_space<hbm>> -> memref<4096xf32, #tpu.memory_space<hbm>>
      %dma_start3A_79 = arith.constant 0 : i32
      %dma_start3A_80 = tpu.memref_slice %arg2[%add3A_36, %dma_start3A_79] : memref<24x4096xf32, #tpu.memory_space<hbm>> -> memref<1x4096xf32, #tpu.memory_space<hbm>>
      %dma_start3A_81 = tpu.memref_squeeze %dma_start3A_80 : memref<1x4096xf32, #tpu.memory_space<hbm>> -> memref<4096xf32, #tpu.memory_space<hbm>>
      tpu.enqueue_dma source(%dma_start3A_81 : memref<4096xf32, #tpu.memory_space<hbm>>) target(%arg6 : memref<4096xf32, #tpu.memory_space<vmem>>) target_semaphore(%run_scoped3A : memref<!tpu.dma_semaphore, #tpu.memory_space<semaphore_mem>>)
      %dma_wait3A = arith.constant 0 : i32
      %dma_wait3A_82 = tpu.memref_slice %arg2[%add3A_36, %dma_wait3A] : memref<24x4096xf32, #tpu.memory_space<hbm>> -> memref<1x4096xf32, #tpu.memory_space<hbm>>
      %dma_wait3A_83 = tpu.memref_squeeze %dma_wait3A_82 : memref<1x4096xf32, #tpu.memory_space<hbm>> -> memref<4096xf32, #tpu.memory_space<hbm>>
      %dma_wait3A_84 = arith.constant 0 : i32
      %dma_wait3A_85 = tpu.memref_slice %arg2[%add3A_36, %dma_wait3A_84] : memref<24x4096xf32, #tpu.memory_space<hbm>> -> memref<1x4096xf32, #tpu.memory_space<hbm>>
      %dma_wait3A_86 = tpu.memref_squeeze %dma_wait3A_85 : memref<1x4096xf32, #tpu.memory_space<hbm>> -> memref<4096xf32, #tpu.memory_space<hbm>>
      tpu.wait_dma2 semaphore(%run_scoped3A : memref<!tpu.dma_semaphore, #tpu.memory_space<semaphore_mem>>) src(%dma_wait3A_86 : memref<4096xf32, #tpu.memory_space<hbm>>) dst(%arg6 : memref<4096xf32, #tpu.memory_space<vmem>>)
      tpu.yield
    }) : () -> ()
    %mul3A_37 = arith.constant 3 : i32
    %mul3A_38 = arith.muli %select_n3A, %mul3A_37 : i32
    %add3A_39 = arith.constant 1 : i32
    %add3A_40 = arith.addi %mul3A_38, %add3A_39 : i32
    "tpu.region"() ({
      %run_scoped3A = tpu.sem_alloc : memref<!tpu.dma_semaphore, #tpu.memory_space<semaphore_mem>>
      %dma_start3A = arith.constant 0 : i32
      %dma_start3A_77 = tpu.memref_slice %arg2[%add3A_40, %dma_start3A] : memref<24x4096xf32, #tpu.memory_space<hbm>> -> memref<1x4096xf32, #tpu.memory_space<hbm>>
      %dma_start3A_78 = tpu.memref_squeeze %dma_start3A_77 : memref<1x4096xf32, #tpu.memory_space<hbm>> -> memref<4096xf32, #tpu.memory_space<hbm>>
      %dma_start3A_79 = arith.constant 0 : i32
      %dma_start3A_80 = tpu.memref_slice %arg2[%add3A_40, %dma_start3A_79] : memref<24x4096xf32, #tpu.memory_space<hbm>> -> memref<1x4096xf32, #tpu.memory_space<hbm>>
      %dma_start3A_81 = tpu.memref_squeeze %dma_start3A_80 : memref<1x4096xf32, #tpu.memory_space<hbm>> -> memref<4096xf32, #tpu.memory_space<hbm>>
      tpu.enqueue_dma source(%dma_start3A_81 : memref<4096xf32, #tpu.memory_space<hbm>>) target(%arg7 : memref<4096xf32, #tpu.memory_space<vmem>>) target_semaphore(%run_scoped3A : memref<!tpu.dma_semaphore, #tpu.memory_space<semaphore_mem>>)
      %dma_wait3A = arith.constant 0 : i32
      %dma_wait3A_82 = tpu.memref_slice %arg2[%add3A_40, %dma_wait3A] : memref<24x4096xf32, #tpu.memory_space<hbm>> -> memref<1x4096xf32, #tpu.memory_space<hbm>>
      %dma_wait3A_83 = tpu.memref_squeeze %dma_wait3A_82 : memref<1x4096xf32, #tpu.memory_space<hbm>> -> memref<4096xf32, #tpu.memory_space<hbm>>
      %dma_wait3A_84 = arith.constant 0 : i32
      %dma_wait3A_85 = tpu.memref_slice %arg2[%add3A_40, %dma_wait3A_84] : memref<24x4096xf32, #tpu.memory_space<hbm>> -> memref<1x4096xf32, #tpu.memory_space<hbm>>
      %dma_wait3A_86 = tpu.memref_squeeze %dma_wait3A_85 : memref<1x4096xf32, #tpu.memory_space<hbm>> -> memref<4096xf32, #tpu.memory_space<hbm>>
      tpu.wait_dma2 semaphore(%run_scoped3A : memref<!tpu.dma_semaphore, #tpu.memory_space<semaphore_mem>>) src(%dma_wait3A_86 : memref<4096xf32, #tpu.memory_space<hbm>>) dst(%arg7 : memref<4096xf32, #tpu.memory_space<vmem>>)
      tpu.yield
    }) : () -> ()
    %mul3A_41 = arith.constant 3 : i32
    %mul3A_42 = arith.muli %select_n3A, %mul3A_41 : i32
    %add3A_43 = arith.constant 2 : i32
    %add3A_44 = arith.addi %mul3A_42, %add3A_43 : i32
    "tpu.region"() ({
      %run_scoped3A = tpu.sem_alloc : memref<!tpu.dma_semaphore, #tpu.memory_space<semaphore_mem>>
      %dma_start3A = arith.constant 0 : i32
      %dma_start3A_77 = tpu.memref_slice %arg2[%add3A_44, %dma_start3A] : memref<24x4096xf32, #tpu.memory_space<hbm>> -> memref<1x4096xf32, #tpu.memory_space<hbm>>
      %dma_start3A_78 = tpu.memref_squeeze %dma_start3A_77 : memref<1x4096xf32, #tpu.memory_space<hbm>> -> memref<4096xf32, #tpu.memory_space<hbm>>
      %dma_start3A_79 = arith.constant 0 : i32
      %dma_start3A_80 = tpu.memref_slice %arg2[%add3A_44, %dma_start3A_79] : memref<24x4096xf32, #tpu.memory_space<hbm>> -> memref<1x4096xf32, #tpu.memory_space<hbm>>
      %dma_start3A_81 = tpu.memref_squeeze %dma_start3A_80 : memref<1x4096xf32, #tpu.memory_space<hbm>> -> memref<4096xf32, #tpu.memory_space<hbm>>
      tpu.enqueue_dma source(%dma_start3A_81 : memref<4096xf32, #tpu.memory_space<hbm>>) target(%arg8 : memref<4096xf32, #tpu.memory_space<vmem>>) target_semaphore(%run_scoped3A : memref<!tpu.dma_semaphore, #tpu.memory_space<semaphore_mem>>)
      %dma_wait3A = arith.constant 0 : i32
      %dma_wait3A_82 = tpu.memref_slice %arg2[%add3A_44, %dma_wait3A] : memref<24x4096xf32, #tpu.memory_space<hbm>> -> memref<1x4096xf32, #tpu.memory_space<hbm>>
      %dma_wait3A_83 = tpu.memref_squeeze %dma_wait3A_82 : memref<1x4096xf32, #tpu.memory_space<hbm>> -> memref<4096xf32, #tpu.memory_space<hbm>>
      %dma_wait3A_84 = arith.constant 0 : i32
      %dma_wait3A_85 = tpu.memref_slice %arg2[%add3A_44, %dma_wait3A_84] : memref<24x4096xf32, #tpu.memory_space<hbm>> -> memref<1x4096xf32, #tpu.memory_space<hbm>>
      %dma_wait3A_86 = tpu.memref_squeeze %dma_wait3A_85 : memref<1x4096xf32, #tpu.memory_space<hbm>> -> memref<4096xf32, #tpu.memory_space<hbm>>
      tpu.wait_dma2 semaphore(%run_scoped3A : memref<!tpu.dma_semaphore, #tpu.memory_space<semaphore_mem>>) src(%dma_wait3A_86 : memref<4096xf32, #tpu.memory_space<hbm>>) dst(%arg8 : memref<4096xf32, #tpu.memory_space<vmem>>)
      tpu.yield
    }) : () -> ()
    %mul3A_45 = arith.constant 3 : i32
    %mul3A_46 = arith.muli %select_n3A, %mul3A_45 : i32
    %add3A_47 = arith.constant 0 : i32
    %add3A_48 = arith.addi %mul3A_46, %add3A_47 : i32
    "tpu.region"() ({
      %run_scoped3A = tpu.sem_alloc : memref<!tpu.dma_semaphore, #tpu.memory_space<semaphore_mem>>
      %dma_start3A = arith.constant 0 : i32
      %dma_start3A_77 = tpu.memref_slice %arg9[%dma_start3A] : memref<272xf32, #tpu.memory_space<vmem>> -> memref<256xf32, #tpu.memory_space<vmem>>
      %dma_start3A_78 = tpu.memref_slice %arg3[%add3A_48, %mul3A_32] : memref<24x1024xf32, #tpu.memory_space<hbm>> -> memref<1x256xf32, #tpu.memory_space<hbm>>
      %dma_start3A_79 = tpu.memref_squeeze %dma_start3A_78 : memref<1x256xf32, #tpu.memory_space<hbm>> -> memref<256xf32, #tpu.memory_space<hbm>>
      %dma_start3A_80 = arith.constant 0 : i32
      %dma_start3A_81 = tpu.memref_slice %arg9[%dma_start3A_80] : memref<272xf32, #tpu.memory_space<vmem>> -> memref<256xf32, #tpu.memory_space<vmem>>
      %dma_start3A_82 = tpu.memref_slice %arg3[%add3A_48, %mul3A_32] : memref<24x1024xf32, #tpu.memory_space<hbm>> -> memref<1x256xf32, #tpu.memory_space<hbm>>
      %dma_start3A_83 = tpu.memref_squeeze %dma_start3A_82 : memref<1x256xf32, #tpu.memory_space<hbm>> -> memref<256xf32, #tpu.memory_space<hbm>>
      tpu.enqueue_dma source(%dma_start3A_83 : memref<256xf32, #tpu.memory_space<hbm>>) target(%dma_start3A_81 : memref<256xf32, #tpu.memory_space<vmem>>) target_semaphore(%run_scoped3A : memref<!tpu.dma_semaphore, #tpu.memory_space<semaphore_mem>>)
      %dma_wait3A = arith.constant 0 : i32
      %dma_wait3A_84 = tpu.memref_slice %arg9[%dma_wait3A] : memref<272xf32, #tpu.memory_space<vmem>> -> memref<256xf32, #tpu.memory_space<vmem>>
      %dma_wait3A_85 = tpu.memref_slice %arg3[%add3A_48, %mul3A_32] : memref<24x1024xf32, #tpu.memory_space<hbm>> -> memref<1x256xf32, #tpu.memory_space<hbm>>
      %dma_wait3A_86 = tpu.memref_squeeze %dma_wait3A_85 : memref<1x256xf32, #tpu.memory_space<hbm>> -> memref<256xf32, #tpu.memory_space<hbm>>
      %dma_wait3A_87 = arith.constant 0 : i32
      %dma_wait3A_88 = tpu.memref_slice %arg9[%dma_wait3A_87] : memref<272xf32, #tpu.memory_space<vmem>> -> memref<256xf32, #tpu.memory_space<vmem>>
      %dma_wait3A_89 = tpu.memref_slice %arg3[%add3A_48, %mul3A_32] : memref<24x1024xf32, #tpu.memory_space<hbm>> -> memref<1x256xf32, #tpu.memory_space<hbm>>
      %dma_wait3A_90 = tpu.memref_squeeze %dma_wait3A_89 : memref<1x256xf32, #tpu.memory_space<hbm>> -> memref<256xf32, #tpu.memory_space<hbm>>
      tpu.wait_dma2 semaphore(%run_scoped3A : memref<!tpu.dma_semaphore, #tpu.memory_space<semaphore_mem>>) src(%dma_wait3A_90 : memref<256xf32, #tpu.memory_space<hbm>>) dst(%dma_wait3A_88 : memref<256xf32, #tpu.memory_space<vmem>>)
      tpu.yield
    }) : () -> ()
    %mul3A_49 = arith.constant 3 : i32
    %mul3A_50 = arith.muli %select_n3A, %mul3A_49 : i32
    %add3A_51 = arith.constant 1 : i32
    %add3A_52 = arith.addi %mul3A_50, %add3A_51 : i32
    "tpu.region"() ({
      %run_scoped3A = tpu.sem_alloc : memref<!tpu.dma_semaphore, #tpu.memory_space<semaphore_mem>>
      %dma_start3A = arith.constant 0 : i32
      %dma_start3A_77 = tpu.memref_slice %arg10[%dma_start3A] : memref<272xf32, #tpu.memory_space<vmem>> -> memref<256xf32, #tpu.memory_space<vmem>>
      %dma_start3A_78 = tpu.memref_slice %arg3[%add3A_52, %mul3A_32] : memref<24x1024xf32, #tpu.memory_space<hbm>> -> memref<1x256xf32, #tpu.memory_space<hbm>>
      %dma_start3A_79 = tpu.memref_squeeze %dma_start3A_78 : memref<1x256xf32, #tpu.memory_space<hbm>> -> memref<256xf32, #tpu.memory_space<hbm>>
      %dma_start3A_80 = arith.constant 0 : i32
      %dma_start3A_81 = tpu.memref_slice %arg10[%dma_start3A_80] : memref<272xf32, #tpu.memory_space<vmem>> -> memref<256xf32, #tpu.memory_space<vmem>>
      %dma_start3A_82 = tpu.memref_slice %arg3[%add3A_52, %mul3A_32] : memref<24x1024xf32, #tpu.memory_space<hbm>> -> memref<1x256xf32, #tpu.memory_space<hbm>>
      %dma_start3A_83 = tpu.memref_squeeze %dma_start3A_82 : memref<1x256xf32, #tpu.memory_space<hbm>> -> memref<256xf32, #tpu.memory_space<hbm>>
      tpu.enqueue_dma source(%dma_start3A_83 : memref<256xf32, #tpu.memory_space<hbm>>) target(%dma_start3A_81 : memref<256xf32, #tpu.memory_space<vmem>>) target_semaphore(%run_scoped3A : memref<!tpu.dma_semaphore, #tpu.memory_space<semaphore_mem>>)
      %dma_wait3A = arith.constant 0 : i32
      %dma_wait3A_84 = tpu.memref_slice %arg10[%dma_wait3A] : memref<272xf32, #tpu.memory_space<vmem>> -> memref<256xf32, #tpu.memory_space<vmem>>
      %dma_wait3A_85 = tpu.memref_slice %arg3[%add3A_52, %mul3A_32] : memref<24x1024xf32, #tpu.memory_space<hbm>> -> memref<1x256xf32, #tpu.memory_space<hbm>>
      %dma_wait3A_86 = tpu.memref_squeeze %dma_wait3A_85 : memref<1x256xf32, #tpu.memory_space<hbm>> -> memref<256xf32, #tpu.memory_space<hbm>>
      %dma_wait3A_87 = arith.constant 0 : i32
      %dma_wait3A_88 = tpu.memref_slice %arg10[%dma_wait3A_87] : memref<272xf32, #tpu.memory_space<vmem>> -> memref<256xf32, #tpu.memory_space<vmem>>
      %dma_wait3A_89 = tpu.memref_slice %arg3[%add3A_52, %mul3A_32] : memref<24x1024xf32, #tpu.memory_space<hbm>> -> memref<1x256xf32, #tpu.memory_space<hbm>>
      %dma_wait3A_90 = tpu.memref_squeeze %dma_wait3A_89 : memref<1x256xf32, #tpu.memory_space<hbm>> -> memref<256xf32, #tpu.memory_space<hbm>>
      tpu.wait_dma2 semaphore(%run_scoped3A : memref<!tpu.dma_semaphore, #tpu.memory_space<semaphore_mem>>) src(%dma_wait3A_90 : memref<256xf32, #tpu.memory_space<hbm>>) dst(%dma_wait3A_88 : memref<256xf32, #tpu.memory_space<vmem>>)
      tpu.yield
    }) : () -> ()
    %mul3A_53 = arith.constant 3 : i32
    %mul3A_54 = arith.muli %select_n3A, %mul3A_53 : i32
    %add3A_55 = arith.constant 2 : i32
    %add3A_56 = arith.addi %mul3A_54, %add3A_55 : i32
    "tpu.region"() ({
      %run_scoped3A = tpu.sem_alloc : memref<!tpu.dma_semaphore, #tpu.memory_space<semaphore_mem>>
      %dma_start3A = arith.constant 0 : i32
      %dma_start3A_77 = tpu.memref_slice %arg11[%dma_start3A] : memref<272xf32, #tpu.memory_space<vmem>> -> memref<256xf32, #tpu.memory_space<vmem>>
      %dma_start3A_78 = tpu.memref_slice %arg3[%add3A_56, %mul3A_32] : memref<24x1024xf32, #tpu.memory_space<hbm>> -> memref<1x256xf32, #tpu.memory_space<hbm>>
      %dma_start3A_79 = tpu.memref_squeeze %dma_start3A_78 : memref<1x256xf32, #tpu.memory_space<hbm>> -> memref<256xf32, #tpu.memory_space<hbm>>
      %dma_start3A_80 = arith.constant 0 : i32
      %dma_start3A_81 = tpu.memref_slice %arg11[%dma_start3A_80] : memref<272xf32, #tpu.memory_space<vmem>> -> memref<256xf32, #tpu.memory_space<vmem>>
      %dma_start3A_82 = tpu.memref_slice %arg3[%add3A_56, %mul3A_32] : memref<24x1024xf32, #tpu.memory_space<hbm>> -> memref<1x256xf32, #tpu.memory_space<hbm>>
      %dma_start3A_83 = tpu.memref_squeeze %dma_start3A_82 : memref<1x256xf32, #tpu.memory_space<hbm>> -> memref<256xf32, #tpu.memory_space<hbm>>
      tpu.enqueue_dma source(%dma_start3A_83 : memref<256xf32, #tpu.memory_space<hbm>>) target(%dma_start3A_81 : memref<256xf32, #tpu.memory_space<vmem>>) target_semaphore(%run_scoped3A : memref<!tpu.dma_semaphore, #tpu.memory_space<semaphore_mem>>)
      %dma_wait3A = arith.constant 0 : i32
      %dma_wait3A_84 = tpu.memref_slice %arg11[%dma_wait3A] : memref<272xf32, #tpu.memory_space<vmem>> -> memref<256xf32, #tpu.memory_space<vmem>>
      %dma_wait3A_85 = tpu.memref_slice %arg3[%add3A_56, %mul3A_32] : memref<24x1024xf32, #tpu.memory_space<hbm>> -> memref<1x256xf32, #tpu.memory_space<hbm>>
      %dma_wait3A_86 = tpu.memref_squeeze %dma_wait3A_85 : memref<1x256xf32, #tpu.memory_space<hbm>> -> memref<256xf32, #tpu.memory_space<hbm>>
      %dma_wait3A_87 = arith.constant 0 : i32
      %dma_wait3A_88 = tpu.memref_slice %arg11[%dma_wait3A_87] : memref<272xf32, #tpu.memory_space<vmem>> -> memref<256xf32, #tpu.memory_space<vmem>>
      %dma_wait3A_89 = tpu.memref_slice %arg3[%add3A_56, %mul3A_32] : memref<24x1024xf32, #tpu.memory_space<hbm>> -> memref<1x256xf32, #tpu.memory_space<hbm>>
      %dma_wait3A_90 = tpu.memref_squeeze %dma_wait3A_89 : memref<1x256xf32, #tpu.memory_space<hbm>> -> memref<256xf32, #tpu.memory_space<hbm>>
      tpu.wait_dma2 semaphore(%run_scoped3A : memref<!tpu.dma_semaphore, #tpu.memory_space<semaphore_mem>>) src(%dma_wait3A_90 : memref<256xf32, #tpu.memory_space<hbm>>) dst(%dma_wait3A_88 : memref<256xf32, #tpu.memory_space<vmem>>)
      tpu.yield
    }) : () -> ()
    %iota3A = tpu.iota {dimensions = array<i32: 0>} : vector<16xi32>
    %mul3A_57 = arith.constant 4096 : i32
    %mul3A_58 = arith.muli %select_n3A, %mul3A_57 : i32
    %scan3A = arith.constant 0 : i32
    %scan3A_59 = arith.constant 0 : i32
    %scan3A_60 = arith.constant 256 : i32
    %scan3A_61 = arith.addi %scan3A_59, %scan3A_60 : i32
    %scan3A_62 = arith.constant 1 : i32
    %scan3A_63 = scf.for %scan3A_77 = %scan3A_59 to %scan3A_61 step %scan3A_62 iter_args(%scan3A_78 = %scan3A) -> (i32)  : i32 {
      %get3A = arith.index_cast %scan3A_77 : i32 to index
      %get3A_79 = tpu.vector_load %arg9[%get3A] {strides = array<i32>} : memref<272xf32, #tpu.memory_space<vmem>>, vector<16xf32>,
      %slice3A = vector.extract_strided_slice %get3A_79 {offsets = [0], sizes = [1], strides = [1]} : vector<16xf32> to vector<1xf32>
      %squeeze3A = vector.extract %slice3A[0] : f32 from vector<1xf32>
      %get3A_80 = arith.index_cast %scan3A_77 : i32 to index
      %get3A_81 = tpu.vector_load %arg10[%get3A_80] {strides = array<i32>} : memref<272xf32, #tpu.memory_space<vmem>>, vector<16xf32>,
      %slice3A_82 = vector.extract_strided_slice %get3A_81 {offsets = [0], sizes = [1], strides = [1]} : vector<16xf32> to vector<1xf32>
      %squeeze3A_83 = vector.extract %slice3A_82[0] : f32 from vector<1xf32>
      %get3A_84 = arith.index_cast %scan3A_77 : i32 to index
      %get3A_85 = tpu.vector_load %arg11[%get3A_84] {strides = array<i32>} : memref<272xf32, #tpu.memory_space<vmem>>, vector<16xf32>,
      %slice3A_86 = vector.extract_strided_slice %get3A_85 {offsets = [0], sizes = [1], strides = [1]} : vector<16xf32> to vector<1xf32>
      %squeeze3A_87 = vector.extract %slice3A_86[0] : f32 from vector<1xf32>
      %scan3A_88 = arith.constant 0 : i32
      %scan3A_89 = arith.constant 0 : i32
      %scan3A_90 = arith.constant 16 : i32
      %scan3A_91 = arith.addi %scan3A_89, %scan3A_90 : i32
      %scan3A_92 = arith.constant 1 : i32
      %scan3A_93 = scf.for %scan3A_125 = %scan3A_89 to %scan3A_91 step %scan3A_92 iter_args(%scan3A_126 = %scan3A_88) -> (i32)  : i32 {
        %lt3A_127 = arith.constant 32 : i32
        %lt3A_128 = arith.cmpi slt, %scan3A_126, %lt3A_127 : i32
        %convert_element_type3A = arith.extui %lt3A_128 : i1 to i32
        %cond3A = arith.constant 0 : i32
        %cond3A_129 = arith.cmpi ne, %convert_element_type3A, %cond3A : i32
        %cond3A_130 = scf.if %cond3A_129 -> (i32) {
          %mul3A_131 = arith.constant 256 : i32
          %mul3A_132 = arith.muli %scan3A_125, %mul3A_131 : i32
          %add3A_133 = arith.constant 0 : i32
          %add3A_134 = arith.addi %mul3A_132, %add3A_133 : i32
          %get3A_135 = arith.index_cast %add3A_134 : i32 to index
          %get3A_136 = tpu.vector_load %arg6[%get3A_135] {strides = array<i32>} : memref<4096xf32, #tpu.memory_space<vmem>>, vector<16xf32>,
          %get3A_137 = arith.index_cast %add3A_134 : i32 to index
          %get3A_138 = tpu.vector_load %arg7[%get3A_137] {strides = array<i32>} : memref<4096xf32, #tpu.memory_space<vmem>>, vector<16xf32>,
          %get3A_139 = arith.index_cast %add3A_134 : i32 to index
          %get3A_140 = tpu.vector_load %arg8[%get3A_139] {strides = array<i32>} : memref<4096xf32, #tpu.memory_space<vmem>>, vector<16xf32>,
          %sub3A_141 = vector.broadcast %squeeze3A : f32 to vector<16xf32>
          %sub3A_142 = arith.subf %get3A_136, %sub3A_141 : vector<16xf32>
          %sub3A_143 = vector.broadcast %squeeze3A_83 : f32 to vector<16xf32>
          %sub3A_144 = arith.subf %get3A_138, %sub3A_143 : vector<16xf32>
          %sub3A_145 = vector.broadcast %squeeze3A_87 : f32 to vector<16xf32>
          %sub3A_146 = arith.subf %get3A_140, %sub3A_145 : vector<16xf32>
          %mul3A_147 = arith.mulf %sub3A_142, %sub3A_142 : vector<16xf32>
          %mul3A_148 = arith.mulf %sub3A_144, %sub3A_144 : vector<16xf32>
          %add3A_149 = arith.addf %mul3A_147, %mul3A_148 : vector<16xf32>
          %mul3A_150 = arith.mulf %sub3A_146, %sub3A_146 : vector<16xf32>
          %add3A_151 = arith.addf %add3A_149, %mul3A_150 : vector<16xf32>
          %le3A = arith.constant 4.000000e-02 : f32
          %le3A_152 = vector.broadcast %le3A : f32 to vector<16xf32>
          %le3A_153 = arith.cmpf ole, %add3A_151, %le3A_152 : vector<16xf32>
          %add3A_154 = arith.addi %mul3A_58, %add3A_134 : i32
          %add3A_155 = vector.broadcast %add3A_154 : i32 to vector<16xi32>
          %add3A_156 = arith.addi %iota3A, %add3A_155 : vector<16xi32>
          %swap3A = arith.index_cast %scan3A_126 : i32 to index
          %swap3A_157 = tpu.vector_load %arg13[%swap3A] masked %le3A_153 {strides = array<i32>} : memref<320xi32, #tpu.memory_space<vmem>>, vector<16xi32>, vector<16xi1>
          tpu.vector_store %arg13[%swap3A], %add3A_156 masked %le3A_153 {strides = array<i32>} : memref<320xi32, #tpu.memory_space<vmem>>, vector<16xi32>, vector<16xi1>
          %all_reduce_population_count3A = tpu.all_reduce %le3A_153 {dim = 0 : i64, kind = #tpu.reduction_kind<sum>} : vector<16xi1> -> vector<16xi32>
          %slice3A_158 = vector.extract_strided_slice %all_reduce_population_count3A {offsets = [0], sizes = [1], strides = [1]} : vector<16xi32> to vector<1xi32>
          %squeeze3A_159 = vector.extract %slice3A_158[0] : i32 from vector<1xi32>
          %add3A_160 = arith.addi %scan3A_126, %squeeze3A_159 : i32
          %mul3A_161 = arith.constant 256 : i32
          %mul3A_162 = arith.muli %scan3A_125, %mul3A_161 : i32
          %add3A_163 = arith.constant 16 : i32
          %add3A_164 = arith.addi %mul3A_162, %add3A_163 : i32
          %get3A_165 = arith.index_cast %add3A_164 : i32 to index
          %get3A_166 = tpu.vector_load %arg6[%get3A_165] {strides = array<i32>} : memref<4096xf32, #tpu.memory_space<vmem>>, vector<16xf32>,
          %get3A_167 = arith.index_cast %add3A_164 : i32 to index
          %get3A_168 = tpu.vector_load %arg7[%get3A_167] {strides = array<i32>} : memref<4096xf32, #tpu.memory_space<vmem>>, vector<16xf32>,
          %get3A_169 = arith.index_cast %add3A_164 : i32 to index
          %get3A_170 = tpu.vector_load %arg8[%get3A_169] {strides = array<i32>} : memref<4096xf32, #tpu.memory_space<vmem>>, vector<16xf32>,
          %sub3A_171 = vector.broadcast %squeeze3A : f32 to vector<16xf32>
          %sub3A_172 = arith.subf %get3A_166, %sub3A_171 : vector<16xf32>
          %sub3A_173 = vector.broadcast %squeeze3A_83 : f32 to vector<16xf32>
          %sub3A_174 = arith.subf %get3A_168, %sub3A_173 : vector<16xf32>
          %sub3A_175 = vector.broadcast %squeeze3A_87 : f32 to vector<16xf32>
          %sub3A_176 = arith.subf %get3A_170, %sub3A_175 : vector<16xf32>
          %mul3A_177 = arith.mulf %sub3A_172, %sub3A_172 : vector<16xf32>
          %mul3A_178 = arith.mulf %sub3A_174, %sub3A_174 : vector<16xf32>
          %add3A_179 = arith.addf %mul3A_177, %mul3A_178 : vector<16xf32>
          %mul3A_180 = arith.mulf %sub3A_176, %sub3A_176 : vector<16xf32>
          %add3A_181 = arith.addf %add3A_179, %mul3A_180 : vector<16xf32>
          %le3A_182 = arith.constant 4.000000e-02 : f32
          %le3A_183 = vector.broadcast %le3A_182 : f32 to vector<16xf32>
          %le3A_184 = arith.cmpf ole, %add3A_181, %le3A_183 : vector<16xf32>
          %add3A_185 = arith.addi %mul3A_58, %add3A_164 : i32
          %add3A_186 = vector.broadcast %add3A_185 : i32 to vector<16xi32>
          %add3A_187 = arith.addi %iota3A, %add3A_186 : vector<16xi32>
          %swap3A_188 = arith.index_cast %add3A_160 : i32 to index
          %swap3A_189 = tpu.vector_load %arg13[%swap3A_188] masked %le3A_184 {strides = array<i32>} : memref<320xi32, #tpu.memory_space<vmem>>, vector<16xi32>, vector<16xi1>
          tpu.vector_store %arg13[%swap3A_188], %add3A_187 masked %le3A_184 {strides = array<i32>} : memref<320xi32, #tpu.memory_space<vmem>>, vector<16xi32>, vector<16xi1>
          %all_reduce_population_count3A_190 = tpu.all_reduce %le3A_184 {dim = 0 : i64, kind = #tpu.reduction_kind<sum>} : vector<16xi1> -> vector<16xi32>
          %slice3A_191 = vector.extract_strided_slice %all_reduce_population_count3A_190 {offsets = [0], sizes = [1], strides = [1]} : vector<16xi32> to vector<1xi32>
          %squeeze3A_192 = vector.extract %slice3A_191[0] : i32 from vector<1xi32>
          %add3A_193 = arith.addi %add3A_160, %squeeze3A_192 : i32
          %mul3A_194 = arith.constant 256 : i32
          %mul3A_195 = arith.muli %scan3A_125, %mul3A_194 : i32
          %add3A_196 = arith.constant 32 : i32
          %add3A_197 = arith.addi %mul3A_195, %add3A_196 : i32
          %get3A_198 = arith.index_cast %add3A_197 : i32 to index
          %get3A_199 = tpu.vector_load %arg6[%get3A_198] {strides = array<i32>} : memref<4096xf32, #tpu.memory_space<vmem>>, vector<16xf32>,
          %get3A_200 = arith.index_cast %add3A_197 : i32 to index
          %get3A_201 = tpu.vector_load %arg7[%get3A_200] {strides = array<i32>} : memref<4096xf32, #tpu.memory_space<vmem>>, vector<16xf32>,
          %get3A_202 = arith.index_cast %add3A_197 : i32 to index
          %get3A_203 = tpu.vector_load %arg8[%get3A_202] {strides = array<i32>} : memref<4096xf32, #tpu.memory_space<vmem>>, vector<16xf32>,
          %sub3A_204 = vector.broadcast %squeeze3A : f32 to vector<16xf32>
          %sub3A_205 = arith.subf %get3A_199, %sub3A_204 : vector<16xf32>
          %sub3A_206 = vector.broadcast %squeeze3A_83 : f32 to vector<16xf32>
          %sub3A_207 = arith.subf %get3A_201, %sub3A_206 : vector<16xf32>
          %sub3A_208 = vector.broadcast %squeeze3A_87 : f32 to vector<16xf32>
          %sub3A_209 = arith.subf %get3A_203, %sub3A_208 : vector<16xf32>
          %mul3A_210 = arith.mulf %sub3A_205, %sub3A_205 : vector<16xf32>
          %mul3A_211 = arith.mulf %sub3A_207, %sub3A_207 : vector<16xf32>
          %add3A_212 = arith.addf %mul3A_210, %mul3A_211 : vector<16xf32>
          %mul3A_213 = arith.mulf %sub3A_209, %sub3A_209 : vector<16xf32>
          %add3A_214 = arith.addf %add3A_212, %mul3A_213 : vector<16xf32>
          %le3A_215 = arith.constant 4.000000e-02 : f32
          %le3A_216 = vector.broadcast %le3A_215 : f32 to vector<16xf32>
          %le3A_217 = arith.cmpf ole, %add3A_214, %le3A_216 : vector<16xf32>
          %add3A_218 = arith.addi %mul3A_58, %add3A_197 : i32
          %add3A_219 = vector.broadcast %add3A_218 : i32 to vector<16xi32>
          %add3A_220 = arith.addi %iota3A, %add3A_219 : vector<16xi32>
          %swap3A_221 = arith.index_cast %add3A_193 : i32 to index
          %swap3A_222 = tpu.vector_load %arg13[%swap3A_221] masked %le3A_217 {strides = array<i32>} : memref<320xi32, #tpu.memory_space<vmem>>, vector<16xi32>, vector<16xi1>
          tpu.vector_store %arg13[%swap3A_221], %add3A_220 masked %le3A_217 {strides = array<i32>} : memref<320xi32, #tpu.memory_space<vmem>>, vector<16xi32>, vector<16xi1>
          %all_reduce_population_count3A_223 = tpu.all_reduce %le3A_217 {dim = 0 : i64, kind = #tpu.reduction_kind<sum>} : vector<16xi1> -> vector<16xi32>
          %slice3A_224 = vector.extract_strided_slice %all_reduce_population_count3A_223 {offsets = [0], sizes = [1], strides = [1]} : vector<16xi32> to vector<1xi32>
          %squeeze3A_225 = vector.extract %slice3A_224[0] : i32 from vector<1xi32>
          %add3A_226 = arith.addi %add3A_193, %squeeze3A_225 : i32
          %mul3A_227 = arith.constant 256 : i32
          %mul3A_228 = arith.muli %scan3A_125, %mul3A_227 : i32
          %add3A_229 = arith.constant 48 : i32
          %add3A_230 = arith.addi %mul3A_228, %add3A_229 : i32
          %get3A_231 = arith.index_cast %add3A_230 : i32 to index
          %get3A_232 = tpu.vector_load %arg6[%get3A_231] {strides = array<i32>} : memref<4096xf32, #tpu.memory_space<vmem>>, vector<16xf32>,
          %get3A_233 = arith.index_cast %add3A_230 : i32 to index
          %get3A_234 = tpu.vector_load %arg7[%get3A_233] {strides = array<i32>} : memref<4096xf32, #tpu.memory_space<vmem>>, vector<16xf32>,
          %get3A_235 = arith.index_cast %add3A_230 : i32 to index
          %get3A_236 = tpu.vector_load %arg8[%get3A_235] {strides = array<i32>} : memref<4096xf32, #tpu.memory_space<vmem>>, vector<16xf32>,
          %sub3A_237 = vector.broadcast %squeeze3A : f32 to vector<16xf32>
          %sub3A_238 = arith.subf %get3A_232, %sub3A_237 : vector<16xf32>
          %sub3A_239 = vector.broadcast %squeeze3A_83 : f32 to vector<16xf32>
          %sub3A_240 = arith.subf %get3A_234, %sub3A_239 : vector<16xf32>
          %sub3A_241 = vector.broadcast %squeeze3A_87 : f32 to vector<16xf32>
          %sub3A_242 = arith.subf %get3A_236, %sub3A_241 : vector<16xf32>
          %mul3A_243 = arith.mulf %sub3A_238, %sub3A_238 : vector<16xf32>
          %mul3A_244 = arith.mulf %sub3A_240, %sub3A_240 : vector<16xf32>
          %add3A_245 = arith.addf %mul3A_243, %mul3A_244 : vector<16xf32>
          %mul3A_246 = arith.mulf %sub3A_242, %sub3A_242 : vector<16xf32>
          %add3A_247 = arith.addf %add3A_245, %mul3A_246 : vector<16xf32>
          %le3A_248 = arith.constant 4.000000e-02 : f32
          %le3A_249 = vector.broadcast %le3A_248 : f32 to vector<16xf32>
          %le3A_250 = arith.cmpf ole, %add3A_247, %le3A_249 : vector<16xf32>
          %add3A_251 = arith.addi %mul3A_58, %add3A_230 : i32
          %add3A_252 = vector.broadcast %add3A_251 : i32 to vector<16xi32>
          %add3A_253 = arith.addi %iota3A, %add3A_252 : vector<16xi32>
          %swap3A_254 = arith.index_cast %add3A_226 : i32 to index
          %swap3A_255 = tpu.vector_load %arg13[%swap3A_254] masked %le3A_250 {strides = array<i32>} : memref<320xi32, #tpu.memory_space<vmem>>, vector<16xi32>, vector<16xi1>
          tpu.vector_store %arg13[%swap3A_254], %add3A_253 masked %le3A_250 {strides = array<i32>} : memref<320xi32, #tpu.memory_space<vmem>>, vector<16xi32>, vector<16xi1>
          %all_reduce_population_count3A_256 = tpu.all_reduce %le3A_250 {dim = 0 : i64, kind = #tpu.reduction_kind<sum>} : vector<16xi1> -> vector<16xi32>
          %slice3A_257 = vector.extract_strided_slice %all_reduce_population_count3A_256 {offsets = [0], sizes = [1], strides = [1]} : vector<16xi32> to vector<1xi32>
          %squeeze3A_258 = vector.extract %slice3A_257[0] : i32 from vector<1xi32>
          %add3A_259 = arith.addi %add3A_226, %squeeze3A_258 : i32
          %mul3A_260 = arith.constant 256 : i32
          %mul3A_261 = arith.muli %scan3A_125, %mul3A_260 : i32
          %add3A_262 = arith.constant 64 : i32
          %add3A_263 = arith.addi %mul3A_261, %add3A_262 : i32
          %get3A_264 = arith.index_cast %add3A_263 : i32 to index
          %get3A_265 = tpu.vector_load %arg6[%get3A_264] {strides = array<i32>} : memref<4096xf32, #tpu.memory_space<vmem>>, vector<16xf32>,
          %get3A_266 = arith.index_cast %add3A_263 : i32 to index
          %get3A_267 = tpu.vector_load %arg7[%get3A_266] {strides = array<i32>} : memref<4096xf32, #tpu.memory_space<vmem>>, vector<16xf32>,
          %get3A_268 = arith.index_cast %add3A_263 : i32 to index
          %get3A_269 = tpu.vector_load %arg8[%get3A_268] {strides = array<i32>} : memref<4096xf32, #tpu.memory_space<vmem>>, vector<16xf32>,
          %sub3A_270 = vector.broadcast %squeeze3A : f32 to vector<16xf32>
          %sub3A_271 = arith.subf %get3A_265, %sub3A_270 : vector<16xf32>
          %sub3A_272 = vector.broadcast %squeeze3A_83 : f32 to vector<16xf32>
          %sub3A_273 = arith.subf %get3A_267, %sub3A_272 : vector<16xf32>
          %sub3A_274 = vector.broadcast %squeeze3A_87 : f32 to vector<16xf32>
          %sub3A_275 = arith.subf %get3A_269, %sub3A_274 : vector<16xf32>
          %mul3A_276 = arith.mulf %sub3A_271, %sub3A_271 : vector<16xf32>
          %mul3A_277 = arith.mulf %sub3A_273, %sub3A_273 : vector<16xf32>
          %add3A_278 = arith.addf %mul3A_276, %mul3A_277 : vector<16xf32>
          %mul3A_279 = arith.mulf %sub3A_275, %sub3A_275 : vector<16xf32>
          %add3A_280 = arith.addf %add3A_278, %mul3A_279 : vector<16xf32>
          %le3A_281 = arith.constant 4.000000e-02 : f32
          %le3A_282 = vector.broadcast %le3A_281 : f32 to vector<16xf32>
          %le3A_283 = arith.cmpf ole, %add3A_280, %le3A_282 : vector<16xf32>
          %add3A_284 = arith.addi %mul3A_58, %add3A_263 : i32
          %add3A_285 = vector.broadcast %add3A_284 : i32 to vector<16xi32>
          %add3A_286 = arith.addi %iota3A, %add3A_285 : vector<16xi32>
          %swap3A_287 = arith.index_cast %add3A_259 : i32 to index
          %swap3A_288 = tpu.vector_load %arg13[%swap3A_287] masked %le3A_283 {strides = array<i32>} : memref<320xi32, #tpu.memory_space<vmem>>, vector<16xi32>, vector<16xi1>
          tpu.vector_store %arg13[%swap3A_287], %add3A_286 masked %le3A_283 {strides = array<i32>} : memref<320xi32, #tpu.memory_space<vmem>>, vector<16xi32>, vector<16xi1>
          %all_reduce_population_count3A_289 = tpu.all_reduce %le3A_283 {dim = 0 : i64, kind = #tpu.reduction_kind<sum>} : vector<16xi1> -> vector<16xi32>
          %slice3A_290 = vector.extract_strided_slice %all_reduce_population_count3A_289 {offsets = [0], sizes = [1], strides = [1]} : vector<16xi32> to vector<1xi32>
          %squeeze3A_291 = vector.extract %slice3A_290[0] : i32 from vector<1xi32>
          %add3A_292 = arith.addi %add3A_259, %squeeze3A_291 : i32
          %mul3A_293 = arith.constant 256 : i32
          %mul3A_294 = arith.muli %scan3A_125, %mul3A_293 : i32
          %add3A_295 = arith.constant 80 : i32
          %add3A_296 = arith.addi %mul3A_294, %add3A_295 : i32
          %get3A_297 = arith.index_cast %add3A_296 : i32 to index
          %get3A_298 = tpu.vector_load %arg6[%get3A_297] {strides = array<i32>} : memref<4096xf32, #tpu.memory_space<vmem>>, vector<16xf32>,
          %get3A_299 = arith.index_cast %add3A_296 : i32 to index
          %get3A_300 = tpu.vector_load %arg7[%get3A_299] {strides = array<i32>} : memref<4096xf32, #tpu.memory_space<vmem>>, vector<16xf32>,
          %get3A_301 = arith.index_cast %add3A_296 : i32 to index
          %get3A_302 = tpu.vector_load %arg8[%get3A_301] {strides = array<i32>} : memref<4096xf32, #tpu.memory_space<vmem>>, vector<16xf32>,
          %sub3A_303 = vector.broadcast %squeeze3A : f32 to vector<16xf32>
          %sub3A_304 = arith.subf %get3A_298, %sub3A_303 : vector<16xf32>
          %sub3A_305 = vector.broadcast %squeeze3A_83 : f32 to vector<16xf32>
          %sub3A_306 = arith.subf %get3A_300, %sub3A_305 : vector<16xf32>
          %sub3A_307 = vector.broadcast %squeeze3A_87 : f32 to vector<16xf32>
          %sub3A_308 = arith.subf %get3A_302, %sub3A_307 : vector<16xf32>
          %mul3A_309 = arith.mulf %sub3A_304, %sub3A_304 : vector<16xf32>
          %mul3A_310 = arith.mulf %sub3A_306, %sub3A_306 : vector<16xf32>
          %add3A_311 = arith.addf %mul3A_309, %mul3A_310 : vector<16xf32>
          %mul3A_312 = arith.mulf %sub3A_308, %sub3A_308 : vector<16xf32>
          %add3A_313 = arith.addf %add3A_311, %mul3A_312 : vector<16xf32>
          %le3A_314 = arith.constant 4.000000e-02 : f32
          %le3A_315 = vector.broadcast %le3A_314 : f32 to vector<16xf32>
          %le3A_316 = arith.cmpf ole, %add3A_313, %le3A_315 : vector<16xf32>
          %add3A_317 = arith.addi %mul3A_58, %add3A_296 : i32
          %add3A_318 = vector.broadcast %add3A_317 : i32 to vector<16xi32>
          %add3A_319 = arith.addi %iota3A, %add3A_318 : vector<16xi32>
          %swap3A_320 = arith.index_cast %add3A_292 : i32 to index
          %swap3A_321 = tpu.vector_load %arg13[%swap3A_320] masked %le3A_316 {strides = array<i32>} : memref<320xi32, #tpu.memory_space<vmem>>, vector<16xi32>, vector<16xi1>
          tpu.vector_store %arg13[%swap3A_320], %add3A_319 masked %le3A_316 {strides = array<i32>} : memref<320xi32, #tpu.memory_space<vmem>>, vector<16xi32>, vector<16xi1>
          %all_reduce_population_count3A_322 = tpu.all_reduce %le3A_316 {dim = 0 : i64, kind = #tpu.reduction_kind<sum>} : vector<16xi1> -> vector<16xi32>
          %slice3A_323 = vector.extract_strided_slice %all_reduce_population_count3A_322 {offsets = [0], sizes = [1], strides = [1]} : vector<16xi32> to vector<1xi32>
          %squeeze3A_324 = vector.extract %slice3A_323[0] : i32 from vector<1xi32>
          %add3A_325 = arith.addi %add3A_292, %squeeze3A_324 : i32
          %mul3A_326 = arith.constant 256 : i32
          %mul3A_327 = arith.muli %scan3A_125, %mul3A_326 : i32
          %add3A_328 = arith.constant 96 : i32
          %add3A_329 = arith.addi %mul3A_327, %add3A_328 : i32
          %get3A_330 = arith.index_cast %add3A_329 : i32 to index
          %get3A_331 = tpu.vector_load %arg6[%get3A_330] {strides = array<i32>} : memref<4096xf32, #tpu.memory_space<vmem>>, vector<16xf32>,
          %get3A_332 = arith.index_cast %add3A_329 : i32 to index
          %get3A_333 = tpu.vector_load %arg7[%get3A_332] {strides = array<i32>} : memref<4096xf32, #tpu.memory_space<vmem>>, vector<16xf32>,
          %get3A_334 = arith.index_cast %add3A_329 : i32 to index
          %get3A_335 = tpu.vector_load %arg8[%get3A_334] {strides = array<i32>} : memref<4096xf32, #tpu.memory_space<vmem>>, vector<16xf32>,
          %sub3A_336 = vector.broadcast %squeeze3A : f32 to vector<16xf32>
          %sub3A_337 = arith.subf %get3A_331, %sub3A_336 : vector<16xf32>
          %sub3A_338 = vector.broadcast %squeeze3A_83 : f32 to vector<16xf32>
          %sub3A_339 = arith.subf %get3A_333, %sub3A_338 : vector<16xf32>
          %sub3A_340 = vector.broadcast %squeeze3A_87 : f32 to vector<16xf32>
          %sub3A_341 = arith.subf %get3A_335, %sub3A_340 : vector<16xf32>
          %mul3A_342 = arith.mulf %sub3A_337, %sub3A_337 : vector<16xf32>
          %mul3A_343 = arith.mulf %sub3A_339, %sub3A_339 : vector<16xf32>
          %add3A_344 = arith.addf %mul3A_342, %mul3A_343 : vector<16xf32>
          %mul3A_345 = arith.mulf %sub3A_341, %sub3A_341 : vector<16xf32>
          %add3A_346 = arith.addf %add3A_344, %mul3A_345 : vector<16xf32>
          %le3A_347 = arith.constant 4.000000e-02 : f32
          %le3A_348 = vector.broadcast %le3A_347 : f32 to vector<16xf32>
          %le3A_349 = arith.cmpf ole, %add3A_346, %le3A_348 : vector<16xf32>
          %add3A_350 = arith.addi %mul3A_58, %add3A_329 : i32
          %add3A_351 = vector.broadcast %add3A_350 : i32 to vector<16xi32>
          %add3A_352 = arith.addi %iota3A, %add3A_351 : vector<16xi32>
          %swap3A_353 = arith.index_cast %add3A_325 : i32 to index
          %swap3A_354 = tpu.vector_load %arg13[%swap3A_353] masked %le3A_349 {strides = array<i32>} : memref<320xi32, #tpu.memory_space<vmem>>, vector<16xi32>, vector<16xi1>
          tpu.vector_store %arg13[%swap3A_353], %add3A_352 masked %le3A_349 {strides = array<i32>} : memref<320xi32, #tpu.memory_space<vmem>>, vector<16xi32>, vector<16xi1>
          %all_reduce_population_count3A_355 = tpu.all_reduce %le3A_349 {dim = 0 : i64, kind = #tpu.reduction_kind<sum>} : vector<16xi1> -> vector<16xi32>
          %slice3A_356 = vector.extract_strided_slice %all_reduce_population_count3A_355 {offsets = [0], sizes = [1], strides = [1]} : vector<16xi32> to vector<1xi32>
          %squeeze3A_357 = vector.extract %slice3A_356[0] : i32 from vector<1xi32>
          %add3A_358 = arith.addi %add3A_325, %squeeze3A_357 : i32
          %mul3A_359 = arith.constant 256 : i32
          %mul3A_360 = arith.muli %scan3A_125, %mul3A_359 : i32
          %add3A_361 = arith.constant 112 : i32
          %add3A_362 = arith.addi %mul3A_360, %add3A_361 : i32
          %get3A_363 = arith.index_cast %add3A_362 : i32 to index
          %get3A_364 = tpu.vector_load %arg6[%get3A_363] {strides = array<i32>} : memref<4096xf32, #tpu.memory_space<vmem>>, vector<16xf32>,
          %get3A_365 = arith.index_cast %add3A_362 : i32 to index
          %get3A_366 = tpu.vector_load %arg7[%get3A_365] {strides = array<i32>} : memref<4096xf32, #tpu.memory_space<vmem>>, vector<16xf32>,
          %get3A_367 = arith.index_cast %add3A_362 : i32 to index
          %get3A_368 = tpu.vector_load %arg8[%get3A_367] {strides = array<i32>} : memref<4096xf32, #tpu.memory_space<vmem>>, vector<16xf32>,
          %sub3A_369 = vector.broadcast %squeeze3A : f32 to vector<16xf32>
          %sub3A_370 = arith.subf %get3A_364, %sub3A_369 : vector<16xf32>
          %sub3A_371 = vector.broadcast %squeeze3A_83 : f32 to vector<16xf32>
          %sub3A_372 = arith.subf %get3A_366, %sub3A_371 : vector<16xf32>
          %sub3A_373 = vector.broadcast %squeeze3A_87 : f32 to vector<16xf32>
          %sub3A_374 = arith.subf %get3A_368, %sub3A_373 : vector<16xf32>
          %mul3A_375 = arith.mulf %sub3A_370, %sub3A_370 : vector<16xf32>
          %mul3A_376 = arith.mulf %sub3A_372, %sub3A_372 : vector<16xf32>
          %add3A_377 = arith.addf %mul3A_375, %mul3A_376 : vector<16xf32>
          %mul3A_378 = arith.mulf %sub3A_374, %sub3A_374 : vector<16xf32>
          %add3A_379 = arith.addf %add3A_377, %mul3A_378 : vector<16xf32>
          %le3A_380 = arith.constant 4.000000e-02 : f32
          %le3A_381 = vector.broadcast %le3A_380 : f32 to vector<16xf32>
          %le3A_382 = arith.cmpf ole, %add3A_379, %le3A_381 : vector<16xf32>
          %add3A_383 = arith.addi %mul3A_58, %add3A_362 : i32
          %add3A_384 = vector.broadcast %add3A_383 : i32 to vector<16xi32>
          %add3A_385 = arith.addi %iota3A, %add3A_384 : vector<16xi32>
          %swap3A_386 = arith.index_cast %add3A_358 : i32 to index
          %swap3A_387 = tpu.vector_load %arg13[%swap3A_386] masked %le3A_382 {strides = array<i32>} : memref<320xi32, #tpu.memory_space<vmem>>, vector<16xi32>, vector<16xi1>
          tpu.vector_store %arg13[%swap3A_386], %add3A_385 masked %le3A_382 {strides = array<i32>} : memref<320xi32, #tpu.memory_space<vmem>>, vector<16xi32>, vector<16xi1>
          %all_reduce_population_count3A_388 = tpu.all_reduce %le3A_382 {dim = 0 : i64, kind = #tpu.reduction_kind<sum>} : vector<16xi1> -> vector<16xi32>
          %slice3A_389 = vector.extract_strided_slice %all_reduce_population_count3A_388 {offsets = [0], sizes = [1], strides = [1]} : vector<16xi32> to vector<1xi32>
          %squeeze3A_390 = vector.extract %slice3A_389[0] : i32 from vector<1xi32>
          %add3A_391 = arith.addi %add3A_358, %squeeze3A_390 : i32
          %mul3A_392 = arith.constant 256 : i32
          %mul3A_393 = arith.muli %scan3A_125, %mul3A_392 : i32
          %add3A_394 = arith.constant 128 : i32
          %add3A_395 = arith.addi %mul3A_393, %add3A_394 : i32
          %get3A_396 = arith.index_cast %add3A_395 : i32 to index
          %get3A_397 = tpu.vector_load %arg6[%get3A_396] {strides = array<i32>} : memref<4096xf32, #tpu.memory_space<vmem>>, vector<16xf32>,
          %get3A_398 = arith.index_cast %add3A_395 : i32 to index
          %get3A_399 = tpu.vector_load %arg7[%get3A_398] {strides = array<i32>} : memref<4096xf32, #tpu.memory_space<vmem>>, vector<16xf32>,
          %get3A_400 = arith.index_cast %add3A_395 : i32 to index
          %get3A_401 = tpu.vector_load %arg8[%get3A_400] {strides = array<i32>} : memref<4096xf32, #tpu.memory_space<vmem>>, vector<16xf32>,
          %sub3A_402 = vector.broadcast %squeeze3A : f32 to vector<16xf32>
          %sub3A_403 = arith.subf %get3A_397, %sub3A_402 : vector<16xf32>
          %sub3A_404 = vector.broadcast %squeeze3A_83 : f32 to vector<16xf32>
          %sub3A_405 = arith.subf %get3A_399, %sub3A_404 : vector<16xf32>
          %sub3A_406 = vector.broadcast %squeeze3A_87 : f32 to vector<16xf32>
          %sub3A_407 = arith.subf %get3A_401, %sub3A_406 : vector<16xf32>
          %mul3A_408 = arith.mulf %sub3A_403, %sub3A_403 : vector<16xf32>
          %mul3A_409 = arith.mulf %sub3A_405, %sub3A_405 : vector<16xf32>
          %add3A_410 = arith.addf %mul3A_408, %mul3A_409 : vector<16xf32>
          %mul3A_411 = arith.mulf %sub3A_407, %sub3A_407 : vector<16xf32>
          %add3A_412 = arith.addf %add3A_410, %mul3A_411 : vector<16xf32>
          %le3A_413 = arith.constant 4.000000e-02 : f32
          %le3A_414 = vector.broadcast %le3A_413 : f32 to vector<16xf32>
          %le3A_415 = arith.cmpf ole, %add3A_412, %le3A_414 : vector<16xf32>
          %add3A_416 = arith.addi %mul3A_58, %add3A_395 : i32
          %add3A_417 = vector.broadcast %add3A_416 : i32 to vector<16xi32>
          %add3A_418 = arith.addi %iota3A, %add3A_417 : vector<16xi32>
          %swap3A_419 = arith.index_cast %add3A_391 : i32 to index
          %swap3A_420 = tpu.vector_load %arg13[%swap3A_419] masked %le3A_415 {strides = array<i32>} : memref<320xi32, #tpu.memory_space<vmem>>, vector<16xi32>, vector<16xi1>
          tpu.vector_store %arg13[%swap3A_419], %add3A_418 masked %le3A_415 {strides = array<i32>} : memref<320xi32, #tpu.memory_space<vmem>>, vector<16xi32>, vector<16xi1>
          %all_reduce_population_count3A_421 = tpu.all_reduce %le3A_415 {dim = 0 : i64, kind = #tpu.reduction_kind<sum>} : vector<16xi1> -> vector<16xi32>
          %slice3A_422 = vector.extract_strided_slice %all_reduce_population_count3A_421 {offsets = [0], sizes = [1], strides = [1]} : vector<16xi32> to vector<1xi32>
          %squeeze3A_423 = vector.extract %slice3A_422[0] : i32 from vector<1xi32>
          %add3A_424 = arith.addi %add3A_391, %squeeze3A_423 : i32
          %mul3A_425 = arith.constant 256 : i32
          %mul3A_426 = arith.muli %scan3A_125, %mul3A_425 : i32
          %add3A_427 = arith.constant 144 : i32
          %add3A_428 = arith.addi %mul3A_426, %add3A_427 : i32
          %get3A_429 = arith.index_cast %add3A_428 : i32 to index
          %get3A_430 = tpu.vector_load %arg6[%get3A_429] {strides = array<i32>} : memref<4096xf32, #tpu.memory_space<vmem>>, vector<16xf32>,
          %get3A_431 = arith.index_cast %add3A_428 : i32 to index
          %get3A_432 = tpu.vector_load %arg7[%get3A_431] {strides = array<i32>} : memref<4096xf32, #tpu.memory_space<vmem>>, vector<16xf32>,
          %get3A_433 = arith.index_cast %add3A_428 : i32 to index
          %get3A_434 = tpu.vector_load %arg8[%get3A_433] {strides = array<i32>} : memref<4096xf32, #tpu.memory_space<vmem>>, vector<16xf32>,
          %sub3A_435 = vector.broadcast %squeeze3A : f32 to vector<16xf32>
          %sub3A_436 = arith.subf %get3A_430, %sub3A_435 : vector<16xf32>
          %sub3A_437 = vector.broadcast %squeeze3A_83 : f32 to vector<16xf32>
          %sub3A_438 = arith.subf %get3A_432, %sub3A_437 : vector<16xf32>
          %sub3A_439 = vector.broadcast %squeeze3A_87 : f32 to vector<16xf32>
          %sub3A_440 = arith.subf %get3A_434, %sub3A_439 : vector<16xf32>
          %mul3A_441 = arith.mulf %sub3A_436, %sub3A_436 : vector<16xf32>
          %mul3A_442 = arith.mulf %sub3A_438, %sub3A_438 : vector<16xf32>
          %add3A_443 = arith.addf %mul3A_441, %mul3A_442 : vector<16xf32>
          %mul3A_444 = arith.mulf %sub3A_440, %sub3A_440 : vector<16xf32>
          %add3A_445 = arith.addf %add3A_443, %mul3A_444 : vector<16xf32>
          %le3A_446 = arith.constant 4.000000e-02 : f32
          %le3A_447 = vector.broadcast %le3A_446 : f32 to vector<16xf32>
          %le3A_448 = arith.cmpf ole, %add3A_445, %le3A_447 : vector<16xf32>
          %add3A_449 = arith.addi %mul3A_58, %add3A_428 : i32
          %add3A_450 = vector.broadcast %add3A_449 : i32 to vector<16xi32>
          %add3A_451 = arith.addi %iota3A, %add3A_450 : vector<16xi32>
          %swap3A_452 = arith.index_cast %add3A_424 : i32 to index
          %swap3A_453 = tpu.vector_load %arg13[%swap3A_452] masked %le3A_448 {strides = array<i32>} : memref<320xi32, #tpu.memory_space<vmem>>, vector<16xi32>, vector<16xi1>
          tpu.vector_store %arg13[%swap3A_452], %add3A_451 masked %le3A_448 {strides = array<i32>} : memref<320xi32, #tpu.memory_space<vmem>>, vector<16xi32>, vector<16xi1>
          %all_reduce_population_count3A_454 = tpu.all_reduce %le3A_448 {dim = 0 : i64, kind = #tpu.reduction_kind<sum>} : vector<16xi1> -> vector<16xi32>
          %slice3A_455 = vector.extract_strided_slice %all_reduce_population_count3A_454 {offsets = [0], sizes = [1], strides = [1]} : vector<16xi32> to vector<1xi32>
          %squeeze3A_456 = vector.extract %slice3A_455[0] : i32 from vector<1xi32>
          %add3A_457 = arith.addi %add3A_424, %squeeze3A_456 : i32
          %mul3A_458 = arith.constant 256 : i32
          %mul3A_459 = arith.muli %scan3A_125, %mul3A_458 : i32
          %add3A_460 = arith.constant 160 : i32
          %add3A_461 = arith.addi %mul3A_459, %add3A_460 : i32
          %get3A_462 = arith.index_cast %add3A_461 : i32 to index
          %get3A_463 = tpu.vector_load %arg6[%get3A_462] {strides = array<i32>} : memref<4096xf32, #tpu.memory_space<vmem>>, vector<16xf32>,
          %get3A_464 = arith.index_cast %add3A_461 : i32 to index
          %get3A_465 = tpu.vector_load %arg7[%get3A_464] {strides = array<i32>} : memref<4096xf32, #tpu.memory_space<vmem>>, vector<16xf32>,
          %get3A_466 = arith.index_cast %add3A_461 : i32 to index
          %get3A_467 = tpu.vector_load %arg8[%get3A_466] {strides = array<i32>} : memref<4096xf32, #tpu.memory_space<vmem>>, vector<16xf32>,
          %sub3A_468 = vector.broadcast %squeeze3A : f32 to vector<16xf32>
          %sub3A_469 = arith.subf %get3A_463, %sub3A_468 : vector<16xf32>
          %sub3A_470 = vector.broadcast %squeeze3A_83 : f32 to vector<16xf32>
          %sub3A_471 = arith.subf %get3A_465, %sub3A_470 : vector<16xf32>
          %sub3A_472 = vector.broadcast %squeeze3A_87 : f32 to vector<16xf32>
          %sub3A_473 = arith.subf %get3A_467, %sub3A_472 : vector<16xf32>
          %mul3A_474 = arith.mulf %sub3A_469, %sub3A_469 : vector<16xf32>
          %mul3A_475 = arith.mulf %sub3A_471, %sub3A_471 : vector<16xf32>
          %add3A_476 = arith.addf %mul3A_474, %mul3A_475 : vector<16xf32>
          %mul3A_477 = arith.mulf %sub3A_473, %sub3A_473 : vector<16xf32>
          %add3A_478 = arith.addf %add3A_476, %mul3A_477 : vector<16xf32>
          %le3A_479 = arith.constant 4.000000e-02 : f32
          %le3A_480 = vector.broadcast %le3A_479 : f32 to vector<16xf32>
          %le3A_481 = arith.cmpf ole, %add3A_478, %le3A_480 : vector<16xf32>
          %add3A_482 = arith.addi %mul3A_58, %add3A_461 : i32
          %add3A_483 = vector.broadcast %add3A_482 : i32 to vector<16xi32>
          %add3A_484 = arith.addi %iota3A, %add3A_483 : vector<16xi32>
          %swap3A_485 = arith.index_cast %add3A_457 : i32 to index
          %swap3A_486 = tpu.vector_load %arg13[%swap3A_485] masked %le3A_481 {strides = array<i32>} : memref<320xi32, #tpu.memory_space<vmem>>, vector<16xi32>, vector<16xi1>
          tpu.vector_store %arg13[%swap3A_485], %add3A_484 masked %le3A_481 {strides = array<i32>} : memref<320xi32, #tpu.memory_space<vmem>>, vector<16xi32>, vector<16xi1>
          %all_reduce_population_count3A_487 = tpu.all_reduce %le3A_481 {dim = 0 : i64, kind = #tpu.reduction_kind<sum>} : vector<16xi1> -> vector<16xi32>
          %slice3A_488 = vector.extract_strided_slice %all_reduce_population_count3A_487 {offsets = [0], sizes = [1], strides = [1]} : vector<16xi32> to vector<1xi32>
          %squeeze3A_489 = vector.extract %slice3A_488[0] : i32 from vector<1xi32>
          %add3A_490 = arith.addi %add3A_457, %squeeze3A_489 : i32
          %mul3A_491 = arith.constant 256 : i32
          %mul3A_492 = arith.muli %scan3A_125, %mul3A_491 : i32
          %add3A_493 = arith.constant 176 : i32
          %add3A_494 = arith.addi %mul3A_492, %add3A_493 : i32
          %get3A_495 = arith.index_cast %add3A_494 : i32 to index
          %get3A_496 = tpu.vector_load %arg6[%get3A_495] {strides = array<i32>} : memref<4096xf32, #tpu.memory_space<vmem>>, vector<16xf32>,
          %get3A_497 = arith.index_cast %add3A_494 : i32 to index
          %get3A_498 = tpu.vector_load %arg7[%get3A_497] {strides = array<i32>} : memref<4096xf32, #tpu.memory_space<vmem>>, vector<16xf32>,
          %get3A_499 = arith.index_cast %add3A_494 : i32 to index
          %get3A_500 = tpu.vector_load %arg8[%get3A_499] {strides = array<i32>} : memref<4096xf32, #tpu.memory_space<vmem>>, vector<16xf32>,
          %sub3A_501 = vector.broadcast %squeeze3A : f32 to vector<16xf32>
          %sub3A_502 = arith.subf %get3A_496, %sub3A_501 : vector<16xf32>
          %sub3A_503 = vector.broadcast %squeeze3A_83 : f32 to vector<16xf32>
          %sub3A_504 = arith.subf %get3A_498, %sub3A_503 : vector<16xf32>
          %sub3A_505 = vector.broadcast %squeeze3A_87 : f32 to vector<16xf32>
          %sub3A_506 = arith.subf %get3A_500, %sub3A_505 : vector<16xf32>
          %mul3A_507 = arith.mulf %sub3A_502, %sub3A_502 : vector<16xf32>
          %mul3A_508 = arith.mulf %sub3A_504, %sub3A_504 : vector<16xf32>
          %add3A_509 = arith.addf %mul3A_507, %mul3A_508 : vector<16xf32>
          %mul3A_510 = arith.mulf %sub3A_506, %sub3A_506 : vector<16xf32>
          %add3A_511 = arith.addf %add3A_509, %mul3A_510 : vector<16xf32>
          %le3A_512 = arith.constant 4.000000e-02 : f32
          %le3A_513 = vector.broadcast %le3A_512 : f32 to vector<16xf32>
          %le3A_514 = arith.cmpf ole, %add3A_511, %le3A_513 : vector<16xf32>
          %add3A_515 = arith.addi %mul3A_58, %add3A_494 : i32
          %add3A_516 = vector.broadcast %add3A_515 : i32 to vector<16xi32>
          %add3A_517 = arith.addi %iota3A, %add3A_516 : vector<16xi32>
          %swap3A_518 = arith.index_cast %add3A_490 : i32 to index
          %swap3A_519 = tpu.vector_load %arg13[%swap3A_518] masked %le3A_514 {strides = array<i32>} : memref<320xi32, #tpu.memory_space<vmem>>, vector<16xi32>, vector<16xi1>
          tpu.vector_store %arg13[%swap3A_518], %add3A_517 masked %le3A_514 {strides = array<i32>} : memref<320xi32, #tpu.memory_space<vmem>>, vector<16xi32>, vector<16xi1>
          %all_reduce_population_count3A_520 = tpu.all_reduce %le3A_514 {dim = 0 : i64, kind = #tpu.reduction_kind<sum>} : vector<16xi1> -> vector<16xi32>
          %slice3A_521 = vector.extract_strided_slice %all_reduce_population_count3A_520 {offsets = [0], sizes = [1], strides = [1]} : vector<16xi32> to vector<1xi32>
          %squeeze3A_522 = vector.extract %slice3A_521[0] : i32 from vector<1xi32>
          %add3A_523 = arith.addi %add3A_490, %squeeze3A_522 : i32
          %mul3A_524 = arith.constant 256 : i32
          %mul3A_525 = arith.muli %scan3A_125, %mul3A_524 : i32
          %add3A_526 = arith.constant 192 : i32
          %add3A_527 = arith.addi %mul3A_525, %add3A_526 : i32
          %get3A_528 = arith.index_cast %add3A_527 : i32 to index
          %get3A_529 = tpu.vector_load %arg6[%get3A_528] {strides = array<i32>} : memref<4096xf32, #tpu.memory_space<vmem>>, vector<16xf32>,
          %get3A_530 = arith.index_cast %add3A_527 : i32 to index
          %get3A_531 = tpu.vector_load %arg7[%get3A_530] {strides = array<i32>} : memref<4096xf32, #tpu.memory_space<vmem>>, vector<16xf32>,
          %get3A_532 = arith.index_cast %add3A_527 : i32 to index
          %get3A_533 = tpu.vector_load %arg8[%get3A_532] {strides = array<i32>} : memref<4096xf32, #tpu.memory_space<vmem>>, vector<16xf32>,
          %sub3A_534 = vector.broadcast %squeeze3A : f32 to vector<16xf32>
          %sub3A_535 = arith.subf %get3A_529, %sub3A_534 : vector<16xf32>
          %sub3A_536 = vector.broadcast %squeeze3A_83 : f32 to vector<16xf32>
          %sub3A_537 = arith.subf %get3A_531, %sub3A_536 : vector<16xf32>
          %sub3A_538 = vector.broadcast %squeeze3A_87 : f32 to vector<16xf32>
          %sub3A_539 = arith.subf %get3A_533, %sub3A_538 : vector<16xf32>
          %mul3A_540 = arith.mulf %sub3A_535, %sub3A_535 : vector<16xf32>
          %mul3A_541 = arith.mulf %sub3A_537, %sub3A_537 : vector<16xf32>
          %add3A_542 = arith.addf %mul3A_540, %mul3A_541 : vector<16xf32>
          %mul3A_543 = arith.mulf %sub3A_539, %sub3A_539 : vector<16xf32>
          %add3A_544 = arith.addf %add3A_542, %mul3A_543 : vector<16xf32>
          %le3A_545 = arith.constant 4.000000e-02 : f32
          %le3A_546 = vector.broadcast %le3A_545 : f32 to vector<16xf32>
          %le3A_547 = arith.cmpf ole, %add3A_544, %le3A_546 : vector<16xf32>
          %add3A_548 = arith.addi %mul3A_58, %add3A_527 : i32
          %add3A_549 = vector.broadcast %add3A_548 : i32 to vector<16xi32>
          %add3A_550 = arith.addi %iota3A, %add3A_549 : vector<16xi32>
          %swap3A_551 = arith.index_cast %add3A_523 : i32 to index
          %swap3A_552 = tpu.vector_load %arg13[%swap3A_551] masked %le3A_547 {strides = array<i32>} : memref<320xi32, #tpu.memory_space<vmem>>, vector<16xi32>, vector<16xi1>
          tpu.vector_store %arg13[%swap3A_551], %add3A_550 masked %le3A_547 {strides = array<i32>} : memref<320xi32, #tpu.memory_space<vmem>>, vector<16xi32>, vector<16xi1>
          %all_reduce_population_count3A_553 = tpu.all_reduce %le3A_547 {dim = 0 : i64, kind = #tpu.reduction_kind<sum>} : vector<16xi1> -> vector<16xi32>
          %slice3A_554 = vector.extract_strided_slice %all_reduce_population_count3A_553 {offsets = [0], sizes = [1], strides = [1]} : vector<16xi32> to vector<1xi32>
          %squeeze3A_555 = vector.extract %slice3A_554[0] : i32 from vector<1xi32>
          %add3A_556 = arith.addi %add3A_523, %squeeze3A_555 : i32
          %mul3A_557 = arith.constant 256 : i32
          %mul3A_558 = arith.muli %scan3A_125, %mul3A_557 : i32
          %add3A_559 = arith.constant 208 : i32
          %add3A_560 = arith.addi %mul3A_558, %add3A_559 : i32
          %get3A_561 = arith.index_cast %add3A_560 : i32 to index
          %get3A_562 = tpu.vector_load %arg6[%get3A_561] {strides = array<i32>} : memref<4096xf32, #tpu.memory_space<vmem>>, vector<16xf32>,
          %get3A_563 = arith.index_cast %add3A_560 : i32 to index
          %get3A_564 = tpu.vector_load %arg7[%get3A_563] {strides = array<i32>} : memref<4096xf32, #tpu.memory_space<vmem>>, vector<16xf32>,
          %get3A_565 = arith.index_cast %add3A_560 : i32 to index
          %get3A_566 = tpu.vector_load %arg8[%get3A_565] {strides = array<i32>} : memref<4096xf32, #tpu.memory_space<vmem>>, vector<16xf32>,
          %sub3A_567 = vector.broadcast %squeeze3A : f32 to vector<16xf32>
          %sub3A_568 = arith.subf %get3A_562, %sub3A_567 : vector<16xf32>
          %sub3A_569 = vector.broadcast %squeeze3A_83 : f32 to vector<16xf32>
          %sub3A_570 = arith.subf %get3A_564, %sub3A_569 : vector<16xf32>
          %sub3A_571 = vector.broadcast %squeeze3A_87 : f32 to vector<16xf32>
          %sub3A_572 = arith.subf %get3A_566, %sub3A_571 : vector<16xf32>
          %mul3A_573 = arith.mulf %sub3A_568, %sub3A_568 : vector<16xf32>
          %mul3A_574 = arith.mulf %sub3A_570, %sub3A_570 : vector<16xf32>
          %add3A_575 = arith.addf %mul3A_573, %mul3A_574 : vector<16xf32>
          %mul3A_576 = arith.mulf %sub3A_572, %sub3A_572 : vector<16xf32>
          %add3A_577 = arith.addf %add3A_575, %mul3A_576 : vector<16xf32>
          %le3A_578 = arith.constant 4.000000e-02 : f32
          %le3A_579 = vector.broadcast %le3A_578 : f32 to vector<16xf32>
          %le3A_580 = arith.cmpf ole, %add3A_577, %le3A_579 : vector<16xf32>
          %add3A_581 = arith.addi %mul3A_58, %add3A_560 : i32
          %add3A_582 = vector.broadcast %add3A_581 : i32 to vector<16xi32>
          %add3A_583 = arith.addi %iota3A, %add3A_582 : vector<16xi32>
          %swap3A_584 = arith.index_cast %add3A_556 : i32 to index
          %swap3A_585 = tpu.vector_load %arg13[%swap3A_584] masked %le3A_580 {strides = array<i32>} : memref<320xi32, #tpu.memory_space<vmem>>, vector<16xi32>, vector<16xi1>
          tpu.vector_store %arg13[%swap3A_584], %add3A_583 masked %le3A_580 {strides = array<i32>} : memref<320xi32, #tpu.memory_space<vmem>>, vector<16xi32>, vector<16xi1>
          %all_reduce_population_count3A_586 = tpu.all_reduce %le3A_580 {dim = 0 : i64, kind = #tpu.reduction_kind<sum>} : vector<16xi1> -> vector<16xi32>
          %slice3A_587 = vector.extract_strided_slice %all_reduce_population_count3A_586 {offsets = [0], sizes = [1], strides = [1]} : vector<16xi32> to vector<1xi32>
          %squeeze3A_588 = vector.extract %slice3A_587[0] : i32 from vector<1xi32>
          %add3A_589 = arith.addi %add3A_556, %squeeze3A_588 : i32
          %mul3A_590 = arith.constant 256 : i32
          %mul3A_591 = arith.muli %scan3A_125, %mul3A_590 : i32
          %add3A_592 = arith.constant 224 : i32
          %add3A_593 = arith.addi %mul3A_591, %add3A_592 : i32
          %get3A_594 = arith.index_cast %add3A_593 : i32 to index
          %get3A_595 = tpu.vector_load %arg6[%get3A_594] {strides = array<i32>} : memref<4096xf32, #tpu.memory_space<vmem>>, vector<16xf32>,
          %get3A_596 = arith.index_cast %add3A_593 : i32 to index
          %get3A_597 = tpu.vector_load %arg7[%get3A_596] {strides = array<i32>} : memref<4096xf32, #tpu.memory_space<vmem>>, vector<16xf32>,
          %get3A_598 = arith.index_cast %add3A_593 : i32 to index
          %get3A_599 = tpu.vector_load %arg8[%get3A_598] {strides = array<i32>} : memref<4096xf32, #tpu.memory_space<vmem>>, vector<16xf32>,
          %sub3A_600 = vector.broadcast %squeeze3A : f32 to vector<16xf32>
          %sub3A_601 = arith.subf %get3A_595, %sub3A_600 : vector<16xf32>
          %sub3A_602 = vector.broadcast %squeeze3A_83 : f32 to vector<16xf32>
          %sub3A_603 = arith.subf %get3A_597, %sub3A_602 : vector<16xf32>
          %sub3A_604 = vector.broadcast %squeeze3A_87 : f32 to vector<16xf32>
          %sub3A_605 = arith.subf %get3A_599, %sub3A_604 : vector<16xf32>
          %mul3A_606 = arith.mulf %sub3A_601, %sub3A_601 : vector<16xf32>
          %mul3A_607 = arith.mulf %sub3A_603, %sub3A_603 : vector<16xf32>
          %add3A_608 = arith.addf %mul3A_606, %mul3A_607 : vector<16xf32>
          %mul3A_609 = arith.mulf %sub3A_605, %sub3A_605 : vector<16xf32>
          %add3A_610 = arith.addf %add3A_608, %mul3A_609 : vector<16xf32>
          %le3A_611 = arith.constant 4.000000e-02 : f32
          %le3A_612 = vector.broadcast %le3A_611 : f32 to vector<16xf32>
          %le3A_613 = arith.cmpf ole, %add3A_610, %le3A_612 : vector<16xf32>
          %add3A_614 = arith.addi %mul3A_58, %add3A_593 : i32
          %add3A_615 = vector.broadcast %add3A_614 : i32 to vector<16xi32>
          %add3A_616 = arith.addi %iota3A, %add3A_615 : vector<16xi32>
          %swap3A_617 = arith.index_cast %add3A_589 : i32 to index
          %swap3A_618 = tpu.vector_load %arg13[%swap3A_617] masked %le3A_613 {strides = array<i32>} : memref<320xi32, #tpu.memory_space<vmem>>, vector<16xi32>, vector<16xi1>
          tpu.vector_store %arg13[%swap3A_617], %add3A_616 masked %le3A_613 {strides = array<i32>} : memref<320xi32, #tpu.memory_space<vmem>>, vector<16xi32>, vector<16xi1>
          %all_reduce_population_count3A_619 = tpu.all_reduce %le3A_613 {dim = 0 : i64, kind = #tpu.reduction_kind<sum>} : vector<16xi1> -> vector<16xi32>
          %slice3A_620 = vector.extract_strided_slice %all_reduce_population_count3A_619 {offsets = [0], sizes = [1], strides = [1]} : vector<16xi32> to vector<1xi32>
          %squeeze3A_621 = vector.extract %slice3A_620[0] : i32 from vector<1xi32>
          %add3A_622 = arith.addi %add3A_589, %squeeze3A_621 : i32
          %mul3A_623 = arith.constant 256 : i32
          %mul3A_624 = arith.muli %scan3A_125, %mul3A_623 : i32
          %add3A_625 = arith.constant 240 : i32
          %add3A_626 = arith.addi %mul3A_624, %add3A_625 : i32
          %get3A_627 = arith.index_cast %add3A_626 : i32 to index
          %get3A_628 = tpu.vector_load %arg6[%get3A_627] {strides = array<i32>} : memref<4096xf32, #tpu.memory_space<vmem>>, vector<16xf32>,
          %get3A_629 = arith.index_cast %add3A_626 : i32 to index
          %get3A_630 = tpu.vector_load %arg7[%get3A_629] {strides = array<i32>} : memref<4096xf32, #tpu.memory_space<vmem>>, vector<16xf32>,
          %get3A_631 = arith.index_cast %add3A_626 : i32 to index
          %get3A_632 = tpu.vector_load %arg8[%get3A_631] {strides = array<i32>} : memref<4096xf32, #tpu.memory_space<vmem>>, vector<16xf32>,
          %sub3A_633 = vector.broadcast %squeeze3A : f32 to vector<16xf32>
          %sub3A_634 = arith.subf %get3A_628, %sub3A_633 : vector<16xf32>
          %sub3A_635 = vector.broadcast %squeeze3A_83 : f32 to vector<16xf32>
          %sub3A_636 = arith.subf %get3A_630, %sub3A_635 : vector<16xf32>
          %sub3A_637 = vector.broadcast %squeeze3A_87 : f32 to vector<16xf32>
          %sub3A_638 = arith.subf %get3A_632, %sub3A_637 : vector<16xf32>
          %mul3A_639 = arith.mulf %sub3A_634, %sub3A_634 : vector<16xf32>
          %mul3A_640 = arith.mulf %sub3A_636, %sub3A_636 : vector<16xf32>
          %add3A_641 = arith.addf %mul3A_639, %mul3A_640 : vector<16xf32>
          %mul3A_642 = arith.mulf %sub3A_638, %sub3A_638 : vector<16xf32>
          %add3A_643 = arith.addf %add3A_641, %mul3A_642 : vector<16xf32>
          %le3A_644 = arith.constant 4.000000e-02 : f32
          %le3A_645 = vector.broadcast %le3A_644 : f32 to vector<16xf32>
          %le3A_646 = arith.cmpf ole, %add3A_643, %le3A_645 : vector<16xf32>
          %add3A_647 = arith.addi %mul3A_58, %add3A_626 : i32
          %add3A_648 = vector.broadcast %add3A_647 : i32 to vector<16xi32>
          %add3A_649 = arith.addi %iota3A, %add3A_648 : vector<16xi32>
          %swap3A_650 = arith.index_cast %add3A_622 : i32 to index
          %swap3A_651 = tpu.vector_load %arg13[%swap3A_650] masked %le3A_646 {strides = array<i32>} : memref<320xi32, #tpu.memory_space<vmem>>, vector<16xi32>, vector<16xi1>
          tpu.vector_store %arg13[%swap3A_650], %add3A_649 masked %le3A_646 {strides = array<i32>} : memref<320xi32, #tpu.memory_space<vmem>>, vector<16xi32>, vector<16xi1>
          %all_reduce_population_count3A_652 = tpu.all_reduce %le3A_646 {dim = 0 : i64, kind = #tpu.reduction_kind<sum>} : vector<16xi1> -> vector<16xi32>
          %slice3A_653 = vector.extract_strided_slice %all_reduce_population_count3A_652 {offsets = [0], sizes = [1], strides = [1]} : vector<16xi32> to vector<1xi32>
          %squeeze3A_654 = vector.extract %slice3A_653[0] : i32 from vector<1xi32>
          %add3A_655 = arith.addi %add3A_622, %squeeze3A_654 : i32
          scf.yield %add3A_655 : i32
        } else {
          scf.yield %scan3A_126 : i32
        }
        scf.yield %cond3A_130 : i32
      }
      %scan3A_94 = arith.constant 16 : i32
      %get3A_95 = arith.constant 0 : index
      %get3A_96 = tpu.vector_load %arg13[%get3A_95] {strides = array<i32>} : memref<320xi32, #tpu.memory_space<vmem>>, vector<16xi32>,
      %get3A_97 = arith.constant 16 : index
      %get3A_98 = tpu.vector_load %arg13[%get3A_97] {strides = array<i32>} : memref<320xi32, #tpu.memory_space<vmem>>, vector<16xi32>,
      %slice3A_99 = vector.extract_strided_slice %get3A_96 {offsets = [0], sizes = [1], strides = [1]} : vector<16xi32> to vector<1xi32>
      %squeeze3A_100 = vector.extract %slice3A_99[0] : i32 from vector<1xi32>
      %lt3A_101 = vector.broadcast %scan3A_93 : i32 to vector<16xi32>
      %lt3A_102 = arith.cmpi slt, %iota3A, %lt3A_101 : vector<16xi32>
      %broadcast_in_dim3A = vector.broadcast %squeeze3A_100 : i32 to vector<16xi32>
      %select_n3A_103 = arith.select %lt3A_102, %get3A_96, %broadcast_in_dim3A : vector<16xi1>, vector<16xi32>
      %add3A_104 = arith.constant 16 : i32
      %add3A_105 = vector.broadcast %add3A_104 : i32 to vector<16xi32>
      %add3A_106 = arith.addi %iota3A, %add3A_105 : vector<16xi32>
      %lt3A_107 = vector.broadcast %scan3A_93 : i32 to vector<16xi32>
      %lt3A_108 = arith.cmpi slt, %add3A_106, %lt3A_107 : vector<16xi32>
      %broadcast_in_dim3A_109 = vector.broadcast %squeeze3A_100 : i32 to vector<16xi32>
      %select_n3A_110 = arith.select %lt3A_108, %get3A_98, %broadcast_in_dim3A_109 : vector<16xi1>, vector<16xi32>
      %mul3A_111 = arith.constant 256 : i32
      %mul3A_112 = vector.broadcast %mul3A_111 : i32 to vector<16xi32>
      %mul3A_113 = arith.muli %iota3A, %mul3A_112 : vector<16xi32>
      %add3A_114 = vector.broadcast %scan3A_77 : i32 to vector<16xi32>
      %add3A_115 = arith.addi %mul3A_113, %add3A_114 : vector<16xi32>
      tpu.vector_store_idx %arg12[%add3A_115], %select_n3A_103 : memref<8192xi32, #tpu.memory_space<vmem>>[vector<16xi32>], vector<16xi32>,
      %add3A_116 = arith.constant 16 : i32
      %add3A_117 = vector.broadcast %add3A_116 : i32 to vector<16xi32>
      %add3A_118 = arith.addi %iota3A, %add3A_117 : vector<16xi32>
      %mul3A_119 = arith.constant 256 : i32
      %mul3A_120 = vector.broadcast %mul3A_119 : i32 to vector<16xi32>
      %mul3A_121 = arith.muli %add3A_118, %mul3A_120 : vector<16xi32>
      %add3A_122 = vector.broadcast %scan3A_77 : i32 to vector<16xi32>
      %add3A_123 = arith.addi %mul3A_121, %add3A_122 : vector<16xi32>
      tpu.vector_store_idx %arg12[%add3A_123], %select_n3A_110 : memref<8192xi32, #tpu.memory_space<vmem>>[vector<16xi32>], vector<16xi32>,
      %scan3A_124 = arith.constant 0 : i32
      scf.yield %scan3A_124 : i32
    }
    %scan3A_64 = arith.constant 256 : i32
    %mul3A_65 = arith.constant 32 : i32
    %mul3A_66 = arith.muli %select_n3A, %mul3A_65 : i32
    %mul3A_67 = arith.constant 1024 : i32
    %mul3A_68 = arith.muli %mul3A_66, %mul3A_67 : i32
    %add3A_69 = arith.addi %mul3A_68, %mul3A_32 : i32
    %scan3A_70 = arith.constant 0 : i32
    %scan3A_71 = arith.constant 0 : i32
    %scan3A_72 = arith.constant 32 : i32
    %scan3A_73 = arith.addi %scan3A_71, %scan3A_72 : i32
    %scan3A_74 = arith.constant 1 : i32
    %scan3A_75 = scf.for %scan3A_77 = %scan3A_71 to %scan3A_73 step %scan3A_74 iter_args(%scan3A_78 = %scan3A_70) -> (i32)  : i32 {
      %mul3A_79 = arith.constant 256 : i32
      %mul3A_80 = arith.muli %scan3A_77, %mul3A_79 : i32
      %dma_start3A = tpu.memref_slice %arg12[%mul3A_80] : memref<8192xi32, #tpu.memory_space<vmem>> -> memref<256xi32, #tpu.memory_space<vmem>>
      %dma_start3A_81 = arith.constant 0 : i32
      %dma_start3A_82 = arith.constant 0 : i32
      %dma_start3A_83 = tpu.memref_slice %arg4[%dma_start3A_81, %dma_start3A_82] : memref<32768x128xf32, #tpu.memory_space<hbm>> -> memref<32768x128xf32, #tpu.memory_space<hbm>>
      tpu.enqueue_indirect_dma source(%dma_start3A_83 : memref<32768x128xf32, #tpu.memory_space<hbm>>) target(%arg14 : memref<256x128xf32, #tpu.memory_space<vmem>>) offsets(%dma_start3A : memref<256xi32, #tpu.memory_space<vmem>>) semaphore(%arg15 : memref<!tpu.dma_semaphore, #tpu.memory_space<semaphore_mem>>)
      %dma_wait3A = tpu.memref_slice %arg12[%mul3A_80] : memref<8192xi32, #tpu.memory_space<vmem>> -> memref<256xi32, #tpu.memory_space<vmem>>
      %dma_wait3A_84 = arith.constant 0 : i32
      %dma_wait3A_85 = arith.constant 0 : i32
      %dma_wait3A_86 = tpu.memref_slice %arg4[%dma_wait3A_84, %dma_wait3A_85] : memref<32768x128xf32, #tpu.memory_space<hbm>> -> memref<32768x128xf32, #tpu.memory_space<hbm>>
      tpu.wait_indirect_dma semaphore(%arg15 : memref<!tpu.dma_semaphore, #tpu.memory_space<semaphore_mem>>) src(%dma_wait3A_86 : memref<32768x128xf32, #tpu.memory_space<hbm>>) dst(%arg14 : memref<256x128xf32, #tpu.memory_space<vmem>>)
      %mul3A_87 = arith.constant 1024 : i32
      %mul3A_88 = arith.muli %scan3A_77, %mul3A_87 : i32
      %add3A_89 = arith.addi %add3A_69, %mul3A_88 : i32
      "tpu.region"() ({
        %run_scoped3A = tpu.sem_alloc : memref<!tpu.dma_semaphore, #tpu.memory_space<semaphore_mem>>
        %dma_start3A_91 = arith.constant 0 : i32
        %dma_start3A_92 = tpu.memref_slice %arg5[%add3A_89, %dma_start3A_91] : memref<262144x128xf32, #tpu.memory_space<hbm>> -> memref<256x128xf32, #tpu.memory_space<hbm>>
        %dma_start3A_93 = arith.constant 0 : i32
        %dma_start3A_94 = tpu.memref_slice %arg5[%add3A_89, %dma_start3A_93] : memref<262144x128xf32, #tpu.memory_space<hbm>> -> memref<256x128xf32, #tpu.memory_space<hbm>>
        tpu.enqueue_dma source(%arg14 : memref<256x128xf32, #tpu.memory_space<vmem>>) target(%dma_start3A_94 : memref<256x128xf32, #tpu.memory_space<hbm>>) target_semaphore(%run_scoped3A : memref<!tpu.dma_semaphore, #tpu.memory_space<semaphore_mem>>)
        %dma_wait3A_95 = arith.constant 0 : i32
        %dma_wait3A_96 = tpu.memref_slice %arg5[%add3A_89, %dma_wait3A_95] : memref<262144x128xf32, #tpu.memory_space<hbm>> -> memref<256x128xf32, #tpu.memory_space<hbm>>
        %dma_wait3A_97 = arith.constant 0 : i32
        %dma_wait3A_98 = tpu.memref_slice %arg5[%add3A_89, %dma_wait3A_97] : memref<262144x128xf32, #tpu.memory_space<hbm>> -> memref<256x128xf32, #tpu.memory_space<hbm>>
        tpu.wait_dma2 semaphore(%run_scoped3A : memref<!tpu.dma_semaphore, #tpu.memory_space<semaphore_mem>>) src(%arg14 : memref<256x128xf32, #tpu.memory_space<vmem>>) dst(%dma_wait3A_98 : memref<256x128xf32, #tpu.memory_space<hbm>>)
        tpu.yield
      }) : () -> ()
      %scan3A_90 = arith.constant 0 : i32
      scf.yield %scan3A_90 : i32
    }
    %scan3A_76 = arith.constant 32 : i32
    return
  }
}

module attributes {stable_mosaic.version = 14 : i64} {
  func.func @_fps_body(%arg0: i32, %arg1: memref<1x2x3x32x128xf32, #tpu.memory_space<vmem>>, %arg2: memref<1x2x3x4096xf32, #tpu.memory_space<smem>>, %arg3: memref<1x2x3x1024xf32, #tpu.memory_space<smem>>, %arg4: memref<2x32x128xf32, #tpu.memory_space<vmem>>) attributes {dimension_semantics = [#tpu.dimension_semantics<arbitrary>], iteration_bounds = array<i64: 4>, scalar_prefetch = 0 : i64, scratch_operands = 1 : i64, tpu.core_type = #tpu.core_type<tc>, window_params = [{transform_indices = @transform_0, window_bounds = array<i64: 1, 2, 3, 32, 128>}, {transform_indices = @transform_1, window_bounds = array<i64: 1, 2, 3, 4096>}, {transform_indices = @transform_2, window_bounds = array<i64: 1, 2, 3, 1024>}]} {
    %iota3A = tpu.iota {dimensions = array<i32: 0>} : vector<32x128xi32>
    %mul3A = arith.constant 128 : i32
    %mul3A_0 = vector.broadcast %mul3A : i32 to vector<32x128xi32>
    %mul3A_1 = arith.muli %iota3A, %mul3A_0 : vector<32x128xi32>
    %iota3A_2 = tpu.iota {dimensions = array<i32: 1>} : vector<32x128xi32>
    %add3A = arith.addi %mul3A_1, %iota3A_2 : vector<32x128xi32>
    %broadcast_in_dim3A = arith.constant 1.000000e+10 : f32
    %broadcast_in_dim3A_3 = vector.broadcast %broadcast_in_dim3A : f32 to vector<32x128xf32>
    %swap3A = arith.constant 0 : index
    %swap3A_4 = arith.constant 0 : index
    %swap3A_5 = arith.constant 0 : index
    %swap3A_6 = vector.load %arg4[%swap3A, %swap3A_4, %swap3A_5] : memref<2x32x128xf32, #tpu.memory_space<vmem>>, vector<1x32x128xf32>
    %swap3A_7 = vector.shape_cast %swap3A_6 : vector<1x32x128xf32> to vector<32x128xf32>
    %swap3A_8 = vector.shape_cast %broadcast_in_dim3A_3 : vector<32x128xf32> to vector<1x32x128xf32>
    tpu.vector_store %arg4[%swap3A, %swap3A_4, %swap3A_5], %swap3A_8 {strides = array<i32>} : memref<2x32x128xf32, #tpu.memory_space<vmem>>, vector<1x32x128xf32>,
    %broadcast_in_dim3A_9 = arith.constant 1.000000e+10 : f32
    %broadcast_in_dim3A_10 = vector.broadcast %broadcast_in_dim3A_9 : f32 to vector<32x128xf32>
    %swap3A_11 = arith.constant 1 : index
    %swap3A_12 = arith.constant 0 : index
    %swap3A_13 = arith.constant 0 : index
    %swap3A_14 = vector.load %arg4[%swap3A_11, %swap3A_12, %swap3A_13] : memref<2x32x128xf32, #tpu.memory_space<vmem>>, vector<1x32x128xf32>
    %swap3A_15 = vector.shape_cast %swap3A_14 : vector<1x32x128xf32> to vector<32x128xf32>
    %swap3A_16 = vector.shape_cast %broadcast_in_dim3A_10 : vector<32x128xf32> to vector<1x32x128xf32>
    tpu.vector_store %arg4[%swap3A_11, %swap3A_12, %swap3A_13], %swap3A_16 {strides = array<i32>} : memref<2x32x128xf32, #tpu.memory_space<vmem>>, vector<1x32x128xf32>,
    %scan3A = arith.constant 1073741824 : i32
    %scan3A_17 = arith.constant 0 : i32
    %scan3A_18 = arith.constant 0 : i32
    %scan3A_19 = arith.constant 0 : i32
    %scan3A_20 = arith.constant 1024 : i32
    %scan3A_21 = arith.addi %scan3A_19, %scan3A_20 : i32
    %scan3A_22 = arith.constant 1 : i32
    %scan3A_23:2 = scf.for %scan3A_25 = %scan3A_19 to %scan3A_21 step %scan3A_22 iter_args(%scan3A_26 = %scan3A_17, %scan3A_27 = %scan3A_18) -> (i32, i32)  : i32 {
      %get3A = arith.constant 0 : index
      %get3A_28 = arith.constant 0 : index
      %get3A_29 = arith.constant 0 : index
      %get3A_30 = arith.index_cast %scan3A_26 : i32 to index
      %get3A_31 = memref.load %arg2[%get3A, %get3A_28, %get3A_29, %get3A_30] : memref<1x2x3x4096xf32, #tpu.memory_space<smem>>
      %get3A_32 = arith.constant 0 : index
      %get3A_33 = arith.constant 0 : index
      %get3A_34 = arith.constant 1 : index
      %get3A_35 = arith.index_cast %scan3A_26 : i32 to index
      %get3A_36 = memref.load %arg2[%get3A_32, %get3A_33, %get3A_34, %get3A_35] : memref<1x2x3x4096xf32, #tpu.memory_space<smem>>
      %get3A_37 = arith.constant 0 : index
      %get3A_38 = arith.constant 0 : index
      %get3A_39 = arith.constant 2 : index
      %get3A_40 = arith.index_cast %scan3A_26 : i32 to index
      %get3A_41 = memref.load %arg2[%get3A_37, %get3A_38, %get3A_39, %get3A_40] : memref<1x2x3x4096xf32, #tpu.memory_space<smem>>
      %swap3A_42 = arith.constant 0 : index
      %swap3A_43 = arith.constant 0 : index
      %swap3A_44 = arith.constant 0 : index
      %swap3A_45 = arith.index_cast %scan3A_25 : i32 to index
      %swap3A_46 = memref.load %arg3[%swap3A_42, %swap3A_43, %swap3A_44, %swap3A_45] : memref<1x2x3x1024xf32, #tpu.memory_space<smem>>
      memref.store %get3A_31, %arg3[%swap3A_42, %swap3A_43, %swap3A_44, %swap3A_45] : memref<1x2x3x1024xf32, #tpu.memory_space<smem>>
      %swap3A_47 = arith.constant 0 : index
      %swap3A_48 = arith.constant 0 : index
      %swap3A_49 = arith.constant 1 : index
      %swap3A_50 = arith.index_cast %scan3A_25 : i32 to index
      %swap3A_51 = memref.load %arg3[%swap3A_47, %swap3A_48, %swap3A_49, %swap3A_50] : memref<1x2x3x1024xf32, #tpu.memory_space<smem>>
      memref.store %get3A_36, %arg3[%swap3A_47, %swap3A_48, %swap3A_49, %swap3A_50] : memref<1x2x3x1024xf32, #tpu.memory_space<smem>>
      %swap3A_52 = arith.constant 0 : index
      %swap3A_53 = arith.constant 0 : index
      %swap3A_54 = arith.constant 2 : index
      %swap3A_55 = arith.index_cast %scan3A_25 : i32 to index
      %swap3A_56 = memref.load %arg3[%swap3A_52, %swap3A_53, %swap3A_54, %swap3A_55] : memref<1x2x3x1024xf32, #tpu.memory_space<smem>>
      memref.store %get3A_41, %arg3[%swap3A_52, %swap3A_53, %swap3A_54, %swap3A_55] : memref<1x2x3x1024xf32, #tpu.memory_space<smem>>
      %get3A_57 = arith.constant 0 : index
      %get3A_58 = arith.constant 0 : index
      %get3A_59 = arith.constant 0 : index
      %get3A_60 = arith.constant 0 : index
      %get3A_61 = arith.constant 0 : index
      %get3A_62 = vector.load %arg1[%get3A_57, %get3A_58, %get3A_59, %get3A_60, %get3A_61] : memref<1x2x3x32x128xf32, #tpu.memory_space<vmem>>, vector<1x1x1x32x128xf32>
      %get3A_63 = vector.shape_cast %get3A_62 : vector<1x1x1x32x128xf32> to vector<32x128xf32>
      %sub3A = vector.broadcast %get3A_31 : f32 to vector<32x128xf32>
      %sub3A_64 = arith.subf %get3A_63, %sub3A : vector<32x128xf32>
      %get3A_65 = arith.constant 0 : index
      %get3A_66 = arith.constant 0 : index
      %get3A_67 = arith.constant 1 : index
      %get3A_68 = arith.constant 0 : index
      %get3A_69 = arith.constant 0 : index
      %get3A_70 = vector.load %arg1[%get3A_65, %get3A_66, %get3A_67, %get3A_68, %get3A_69] : memref<1x2x3x32x128xf32, #tpu.memory_space<vmem>>, vector<1x1x1x32x128xf32>
      %get3A_71 = vector.shape_cast %get3A_70 : vector<1x1x1x32x128xf32> to vector<32x128xf32>
      %sub3A_72 = vector.broadcast %get3A_36 : f32 to vector<32x128xf32>
      %sub3A_73 = arith.subf %get3A_71, %sub3A_72 : vector<32x128xf32>
      %get3A_74 = arith.constant 0 : index
      %get3A_75 = arith.constant 0 : index
      %get3A_76 = arith.constant 2 : index
      %get3A_77 = arith.constant 0 : index
      %get3A_78 = arith.constant 0 : index
      %get3A_79 = vector.load %arg1[%get3A_74, %get3A_75, %get3A_76, %get3A_77, %get3A_78] : memref<1x2x3x32x128xf32, #tpu.memory_space<vmem>>, vector<1x1x1x32x128xf32>
      %get3A_80 = vector.shape_cast %get3A_79 : vector<1x1x1x32x128xf32> to vector<32x128xf32>
      %sub3A_81 = vector.broadcast %get3A_41 : f32 to vector<32x128xf32>
      %sub3A_82 = arith.subf %get3A_80, %sub3A_81 : vector<32x128xf32>
      %mul3A_83 = arith.mulf %sub3A_64, %sub3A_64 : vector<32x128xf32>
      %mul3A_84 = arith.mulf %sub3A_73, %sub3A_73 : vector<32x128xf32>
      %add3A_85 = arith.addf %mul3A_83, %mul3A_84 : vector<32x128xf32>
      %mul3A_86 = arith.mulf %sub3A_82, %sub3A_82 : vector<32x128xf32>
      %add3A_87 = arith.addf %add3A_85, %mul3A_86 : vector<32x128xf32>
      %get3A_88 = arith.constant 0 : index
      %get3A_89 = arith.constant 0 : index
      %get3A_90 = arith.constant 0 : index
      %get3A_91 = vector.load %arg4[%get3A_88, %get3A_89, %get3A_90] : memref<2x32x128xf32, #tpu.memory_space<vmem>>, vector<1x32x128xf32>
      %get3A_92 = vector.shape_cast %get3A_91 : vector<1x32x128xf32> to vector<32x128xf32>
      %min3A = arith.minimumf %get3A_92, %add3A_87 : vector<32x128xf32>
      %swap3A_93 = arith.constant 0 : index
      %swap3A_94 = arith.constant 0 : index
      %swap3A_95 = arith.constant 0 : index
      %swap3A_96 = vector.load %arg4[%swap3A_93, %swap3A_94, %swap3A_95] : memref<2x32x128xf32, #tpu.memory_space<vmem>>, vector<1x32x128xf32>
      %swap3A_97 = vector.shape_cast %swap3A_96 : vector<1x32x128xf32> to vector<32x128xf32>
      %swap3A_98 = vector.shape_cast %min3A : vector<32x128xf32> to vector<1x32x128xf32>
      tpu.vector_store %arg4[%swap3A_93, %swap3A_94, %swap3A_95], %swap3A_98 {strides = array<i32>} : memref<2x32x128xf32, #tpu.memory_space<vmem>>, vector<1x32x128xf32>,
      %reduce_max3A = vector.shape_cast %min3A : vector<32x128xf32> to vector<1x32x128xf32>
      %reduce_max3A_99 = arith.constant dense<0xFF800000> : vector<1xf32>
      %reduce_max3A_100 = vector.multi_reduction <maximumf>, %reduce_max3A, %reduce_max3A_99 [1, 2] : vector<1x32x128xf32> to vector<1xf32>
      %reduce_max3A_101 = vector.shape_cast %reduce_max3A_100 : vector<1xf32> to vector<1x1x1xf32>
      %reduce_max3A_102 = vector.extract %reduce_max3A_101[0, 0, 0] : f32 from vector<1x1x1xf32>
      %eq3A = vector.broadcast %reduce_max3A_102 : f32 to vector<32x128xf32>
      %eq3A_103 = arith.cmpf oeq, %min3A, %eq3A : vector<32x128xf32>
      %broadcast_in_dim3A_104 = vector.broadcast %scan3A : i32 to vector<32x128xi32>
      %select_n3A = arith.select %eq3A_103, %add3A, %broadcast_in_dim3A_104 : vector<32x128xi1>, vector<32x128xi32>
      %reduce_min3A = vector.shape_cast %select_n3A : vector<32x128xi32> to vector<1x32x128xi32>
      %reduce_min3A_105 = arith.constant dense<2147483647> : vector<1xi32>
      %reduce_min3A_106 = vector.multi_reduction <minsi>, %reduce_min3A, %reduce_min3A_105 [1, 2] : vector<1x32x128xi32> to vector<1xi32>
      %reduce_min3A_107 = vector.shape_cast %reduce_min3A_106 : vector<1xi32> to vector<1x1x1xi32>
      %reduce_min3A_108 = vector.extract %reduce_min3A_107[0, 0, 0] : i32 from vector<1x1x1xi32>
      %get3A_109 = arith.constant 0 : index
      %get3A_110 = arith.constant 1 : index
      %get3A_111 = arith.constant 0 : index
      %get3A_112 = arith.index_cast %scan3A_27 : i32 to index
      %get3A_113 = memref.load %arg2[%get3A_109, %get3A_110, %get3A_111, %get3A_112] : memref<1x2x3x4096xf32, #tpu.memory_space<smem>>
      %get3A_114 = arith.constant 0 : index
      %get3A_115 = arith.constant 1 : index
      %get3A_116 = arith.constant 1 : index
      %get3A_117 = arith.index_cast %scan3A_27 : i32 to index
      %get3A_118 = memref.load %arg2[%get3A_114, %get3A_115, %get3A_116, %get3A_117] : memref<1x2x3x4096xf32, #tpu.memory_space<smem>>
      %get3A_119 = arith.constant 0 : index
      %get3A_120 = arith.constant 1 : index
      %get3A_121 = arith.constant 2 : index
      %get3A_122 = arith.index_cast %scan3A_27 : i32 to index
      %get3A_123 = memref.load %arg2[%get3A_119, %get3A_120, %get3A_121, %get3A_122] : memref<1x2x3x4096xf32, #tpu.memory_space<smem>>
      %swap3A_124 = arith.constant 0 : index
      %swap3A_125 = arith.constant 1 : index
      %swap3A_126 = arith.constant 0 : index
      %swap3A_127 = arith.index_cast %scan3A_25 : i32 to index
      %swap3A_128 = memref.load %arg3[%swap3A_124, %swap3A_125, %swap3A_126, %swap3A_127] : memref<1x2x3x1024xf32, #tpu.memory_space<smem>>
      memref.store %get3A_113, %arg3[%swap3A_124, %swap3A_125, %swap3A_126, %swap3A_127] : memref<1x2x3x1024xf32, #tpu.memory_space<smem>>
      %swap3A_129 = arith.constant 0 : index
      %swap3A_130 = arith.constant 1 : index
      %swap3A_131 = arith.constant 1 : index
      %swap3A_132 = arith.index_cast %scan3A_25 : i32 to index
      %swap3A_133 = memref.load %arg3[%swap3A_129, %swap3A_130, %swap3A_131, %swap3A_132] : memref<1x2x3x1024xf32, #tpu.memory_space<smem>>
      memref.store %get3A_118, %arg3[%swap3A_129, %swap3A_130, %swap3A_131, %swap3A_132] : memref<1x2x3x1024xf32, #tpu.memory_space<smem>>
      %swap3A_134 = arith.constant 0 : index
      %swap3A_135 = arith.constant 1 : index
      %swap3A_136 = arith.constant 2 : index
      %swap3A_137 = arith.index_cast %scan3A_25 : i32 to index
      %swap3A_138 = memref.load %arg3[%swap3A_134, %swap3A_135, %swap3A_136, %swap3A_137] : memref<1x2x3x1024xf32, #tpu.memory_space<smem>>
      memref.store %get3A_123, %arg3[%swap3A_134, %swap3A_135, %swap3A_136, %swap3A_137] : memref<1x2x3x1024xf32, #tpu.memory_space<smem>>
      %get3A_139 = arith.constant 0 : index
      %get3A_140 = arith.constant 1 : index
      %get3A_141 = arith.constant 0 : index
      %get3A_142 = arith.constant 0 : index
      %get3A_143 = arith.constant 0 : index
      %get3A_144 = vector.load %arg1[%get3A_139, %get3A_140, %get3A_141, %get3A_142, %get3A_143] : memref<1x2x3x32x128xf32, #tpu.memory_space<vmem>>, vector<1x1x1x32x128xf32>
      %get3A_145 = vector.shape_cast %get3A_144 : vector<1x1x1x32x128xf32> to vector<32x128xf32>
      %sub3A_146 = vector.broadcast %get3A_113 : f32 to vector<32x128xf32>
      %sub3A_147 = arith.subf %get3A_145, %sub3A_146 : vector<32x128xf32>
      %get3A_148 = arith.constant 0 : index
      %get3A_149 = arith.constant 1 : index
      %get3A_150 = arith.constant 1 : index
      %get3A_151 = arith.constant 0 : index
      %get3A_152 = arith.constant 0 : index
      %get3A_153 = vector.load %arg1[%get3A_148, %get3A_149, %get3A_150, %get3A_151, %get3A_152] : memref<1x2x3x32x128xf32, #tpu.memory_space<vmem>>, vector<1x1x1x32x128xf32>
      %get3A_154 = vector.shape_cast %get3A_153 : vector<1x1x1x32x128xf32> to vector<32x128xf32>
      %sub3A_155 = vector.broadcast %get3A_118 : f32 to vector<32x128xf32>
      %sub3A_156 = arith.subf %get3A_154, %sub3A_155 : vector<32x128xf32>
      %get3A_157 = arith.constant 0 : index
      %get3A_158 = arith.constant 1 : index
      %get3A_159 = arith.constant 2 : index
      %get3A_160 = arith.constant 0 : index
      %get3A_161 = arith.constant 0 : index
      %get3A_162 = vector.load %arg1[%get3A_157, %get3A_158, %get3A_159, %get3A_160, %get3A_161] : memref<1x2x3x32x128xf32, #tpu.memory_space<vmem>>, vector<1x1x1x32x128xf32>
      %get3A_163 = vector.shape_cast %get3A_162 : vector<1x1x1x32x128xf32> to vector<32x128xf32>
      %sub3A_164 = vector.broadcast %get3A_123 : f32 to vector<32x128xf32>
      %sub3A_165 = arith.subf %get3A_163, %sub3A_164 : vector<32x128xf32>
      %mul3A_166 = arith.mulf %sub3A_147, %sub3A_147 : vector<32x128xf32>
      %mul3A_167 = arith.mulf %sub3A_156, %sub3A_156 : vector<32x128xf32>
      %add3A_168 = arith.addf %mul3A_166, %mul3A_167 : vector<32x128xf32>
      %mul3A_169 = arith.mulf %sub3A_165, %sub3A_165 : vector<32x128xf32>
      %add3A_170 = arith.addf %add3A_168, %mul3A_169 : vector<32x128xf32>
      %get3A_171 = arith.constant 1 : index
      %get3A_172 = arith.constant 0 : index
      %get3A_173 = arith.constant 0 : index
      %get3A_174 = vector.load %arg4[%get3A_171, %get3A_172, %get3A_173] : memref<2x32x128xf32, #tpu.memory_space<vmem>>, vector<1x32x128xf32>
      %get3A_175 = vector.shape_cast %get3A_174 : vector<1x32x128xf32> to vector<32x128xf32>
      %min3A_176 = arith.minimumf %get3A_175, %add3A_170 : vector<32x128xf32>
      %swap3A_177 = arith.constant 1 : index
      %swap3A_178 = arith.constant 0 : index
      %swap3A_179 = arith.constant 0 : index
      %swap3A_180 = vector.load %arg4[%swap3A_177, %swap3A_178, %swap3A_179] : memref<2x32x128xf32, #tpu.memory_space<vmem>>, vector<1x32x128xf32>
      %swap3A_181 = vector.shape_cast %swap3A_180 : vector<1x32x128xf32> to vector<32x128xf32>
      %swap3A_182 = vector.shape_cast %min3A_176 : vector<32x128xf32> to vector<1x32x128xf32>
      tpu.vector_store %arg4[%swap3A_177, %swap3A_178, %swap3A_179], %swap3A_182 {strides = array<i32>} : memref<2x32x128xf32, #tpu.memory_space<vmem>>, vector<1x32x128xf32>,
      %reduce_max3A_183 = vector.shape_cast %min3A_176 : vector<32x128xf32> to vector<1x32x128xf32>
      %reduce_max3A_184 = arith.constant dense<0xFF800000> : vector<1xf32>
      %reduce_max3A_185 = vector.multi_reduction <maximumf>, %reduce_max3A_183, %reduce_max3A_184 [1, 2] : vector<1x32x128xf32> to vector<1xf32>
      %reduce_max3A_186 = vector.shape_cast %reduce_max3A_185 : vector<1xf32> to vector<1x1x1xf32>
      %reduce_max3A_187 = vector.extract %reduce_max3A_186[0, 0, 0] : f32 from vector<1x1x1xf32>
      %eq3A_188 = vector.broadcast %reduce_max3A_187 : f32 to vector<32x128xf32>
      %eq3A_189 = arith.cmpf oeq, %min3A_176, %eq3A_188 : vector<32x128xf32>
      %broadcast_in_dim3A_190 = vector.broadcast %scan3A : i32 to vector<32x128xi32>
      %select_n3A_191 = arith.select %eq3A_189, %add3A, %broadcast_in_dim3A_190 : vector<32x128xi1>, vector<32x128xi32>
      %reduce_min3A_192 = vector.shape_cast %select_n3A_191 : vector<32x128xi32> to vector<1x32x128xi32>
      %reduce_min3A_193 = arith.constant dense<2147483647> : vector<1xi32>
      %reduce_min3A_194 = vector.multi_reduction <minsi>, %reduce_min3A_192, %reduce_min3A_193 [1, 2] : vector<1x32x128xi32> to vector<1xi32>
      %reduce_min3A_195 = vector.shape_cast %reduce_min3A_194 : vector<1xi32> to vector<1x1x1xi32>
      %reduce_min3A_196 = vector.extract %reduce_min3A_195[0, 0, 0] : i32 from vector<1x1x1xi32>
      scf.yield %reduce_min3A_108, %reduce_min3A_196 : i32, i32
    }
    %scan3A_24 = arith.constant 1024 : i32
    return
  }
  func.func @transform_0(%arg0: i32) -> (i32, i32, i32, i32, i32) {
    %c0_i32 = arith.constant 0 : i32
    %c0_i32_0 = arith.constant 0 : i32
    %c0_i32_1 = arith.constant 0 : i32
    %c0_i32_2 = arith.constant 0 : i32
    %c0_i32_3 = arith.constant 0 : i32
    return %arg0, %c0_i32, %c0_i32_0, %c0_i32_1, %c0_i32_2 : i32, i32, i32, i32, i32
  }
  func.func @transform_1(%arg0: i32) -> (i32, i32, i32, i32) {
    %c0_i32 = arith.constant 0 : i32
    %c0_i32_0 = arith.constant 0 : i32
    %c0_i32_1 = arith.constant 0 : i32
    %c0_i32_2 = arith.constant 0 : i32
    return %arg0, %c0_i32, %c0_i32_0, %c0_i32_1 : i32, i32, i32, i32
  }
  func.func @transform_2(%arg0: i32) -> (i32, i32, i32, i32) {
    %c0_i32 = arith.constant 0 : i32
    %c0_i32_0 = arith.constant 0 : i32
    %c0_i32_1 = arith.constant 0 : i32
    %c0_i32_2 = arith.constant 0 : i32
    return %arg0, %c0_i32, %c0_i32_0, %c0_i32_1 : i32, i32, i32, i32
  }
}

module attributes {stable_mosaic.version = 14 : i64} {
  func.func @_prep_body(%arg0: i32, %arg1: memref<1x4096x8xf32, #tpu.memory_space<vmem>>, %arg2: memref<1x4096x64xf32, #tpu.memory_space<vmem>>, %arg3: memref<1x1024x8xf32, #tpu.memory_space<vmem>>, %arg4: memref<8x64xf32, #tpu.memory_space<vmem>>, %arg5: memref<64x64xf32, #tpu.memory_space<vmem>>, %arg6: memref<1x64xf32, #tpu.memory_space<vmem>>, %arg7: memref<1x4096x128xf32, #tpu.memory_space<vmem>>, %arg8: memref<1x1024x64xf32, #tpu.memory_space<vmem>>) attributes {dimension_semantics = [#tpu.dimension_semantics<arbitrary>], iteration_bounds = array<i64: 8>, scalar_prefetch = 0 : i64, scratch_operands = 0 : i64, tpu.core_type = #tpu.core_type<tc>, window_params = [{transform_indices = @transform_0, window_bounds = array<i64: 1, 4096, 8>}, {transform_indices = @transform_1, window_bounds = array<i64: 1, 4096, 64>}, {transform_indices = @transform_2, window_bounds = array<i64: 1, 1024, 8>}, {pipeline_mode = #tpu.pipeline_mode<synchronous>, transform_indices = @transform_3, window_bounds = array<i64: 8, 64>}, {pipeline_mode = #tpu.pipeline_mode<synchronous>, transform_indices = @transform_4, window_bounds = array<i64: 64, 64>}, {pipeline_mode = #tpu.pipeline_mode<synchronous>, transform_indices = @transform_5, window_bounds = array<i64: 1, 64>}, {transform_indices = @transform_6, window_bounds = array<i64: 1, 4096, 128>}, {transform_indices = @transform_7, window_bounds = array<i64: 1, 1024, 64>}]} {
    %get3A = arith.constant 0 : index
    %get3A_0 = arith.constant 0 : index
    %get3A_1 = vector.load %arg4[%get3A, %get3A_0] : memref<8x64xf32, #tpu.memory_space<vmem>>, vector<8x64xf32>
    %get3A_2 = arith.constant 0 : index
    %get3A_3 = arith.constant 0 : index
    %get3A_4 = arith.constant 0 : index
    %get3A_5 = vector.load %arg1[%get3A_2, %get3A_3, %get3A_4] : memref<1x4096x8xf32, #tpu.memory_space<vmem>>, vector<1x4096x8xf32>
    %get3A_6 = vector.shape_cast %get3A_5 : vector<1x4096x8xf32> to vector<4096x8xf32>
    %dot_general3A = arith.constant dense<0.000000e+00> : vector<4096x64xf32>
    %dot_general3A_7 = tpu.matmul %get3A_6, %get3A_1, %dot_general3A {dimension_numbers = #tpu.dot_dimension_numbers<[1], [0], [0], [1], [0, 0, 1, 1], [], []>, transpose_lhs_hint = false} : vector<4096x8xf32>, vector<8x64xf32>, vector<4096x64xf32> -> vector<4096x64xf32>
    %get3A_8 = arith.constant 0 : index
    %get3A_9 = arith.constant 0 : index
    %get3A_10 = arith.constant 0 : index
    %get3A_11 = vector.load %arg2[%get3A_8, %get3A_9, %get3A_10] : memref<1x4096x64xf32, #tpu.memory_space<vmem>>, vector<1x4096x64xf32>
    %get3A_12 = vector.shape_cast %get3A_11 : vector<1x4096x64xf32> to vector<4096x64xf32>
    %get3A_13 = arith.constant 0 : index
    %get3A_14 = arith.constant 0 : index
    %get3A_15 = vector.load %arg5[%get3A_13, %get3A_14] : memref<64x64xf32, #tpu.memory_space<vmem>>, vector<64x64xf32>
    %dot_general3A_16 = arith.constant dense<0.000000e+00> : vector<4096x64xf32>
    %dot_general3A_17 = tpu.matmul %get3A_12, %get3A_15, %dot_general3A_16 {dimension_numbers = #tpu.dot_dimension_numbers<[1], [0], [0], [1], [0, 0, 1, 1], [], []>, transpose_lhs_hint = false} : vector<4096x64xf32>, vector<64x64xf32>, vector<4096x64xf32> -> vector<4096x64xf32>
    %add3A = arith.addf %dot_general3A_7, %dot_general3A_17 : vector<4096x64xf32>
    %get3A_18 = arith.constant 0 : index
    %get3A_19 = arith.constant 0 : index
    %get3A_20 = vector.load %arg6[%get3A_18, %get3A_19] : memref<1x64xf32, #tpu.memory_space<vmem>>, vector<1x64xf32>
    %add3A_21 = vector.broadcast %get3A_20 : vector<1x64xf32> to vector<4096x64xf32>
    %add3A_22 = arith.addf %add3A, %add3A_21 : vector<4096x64xf32>
    %broadcast_in_dim3A = arith.constant 0.000000e+00 : f32
    %broadcast_in_dim3A_23 = vector.broadcast %broadcast_in_dim3A : f32 to vector<4096x64xf32>
    %concatenate3A = tpu.concatenate %add3A_22, %broadcast_in_dim3A_23 in 1 : vector<4096x64xf32>, vector<4096x64xf32> -> vector<4096x128xf32>
    %swap3A = arith.constant 0 : index
    %swap3A_24 = arith.constant 0 : index
    %swap3A_25 = arith.constant 0 : index
    %swap3A_26 = vector.load %arg7[%swap3A, %swap3A_24, %swap3A_25] : memref<1x4096x128xf32, #tpu.memory_space<vmem>>, vector<1x4096x128xf32>
    %swap3A_27 = vector.shape_cast %swap3A_26 : vector<1x4096x128xf32> to vector<4096x128xf32>
    %swap3A_28 = vector.shape_cast %concatenate3A : vector<4096x128xf32> to vector<1x4096x128xf32>
    tpu.vector_store %arg7[%swap3A, %swap3A_24, %swap3A_25], %swap3A_28 {strides = array<i32>} : memref<1x4096x128xf32, #tpu.memory_space<vmem>>, vector<1x4096x128xf32>,
    %get3A_29 = arith.constant 0 : index
    %get3A_30 = arith.constant 0 : index
    %get3A_31 = arith.constant 0 : index
    %get3A_32 = vector.load %arg3[%get3A_29, %get3A_30, %get3A_31] : memref<1x1024x8xf32, #tpu.memory_space<vmem>>, vector<1x1024x8xf32>
    %get3A_33 = vector.shape_cast %get3A_32 : vector<1x1024x8xf32> to vector<1024x8xf32>
    %dot_general3A_34 = arith.constant dense<0.000000e+00> : vector<1024x64xf32>
    %dot_general3A_35 = tpu.matmul %get3A_33, %get3A_1, %dot_general3A_34 {dimension_numbers = #tpu.dot_dimension_numbers<[1], [0], [0], [1], [0, 0, 1, 1], [], []>, transpose_lhs_hint = false} : vector<1024x8xf32>, vector<8x64xf32>, vector<1024x64xf32> -> vector<1024x64xf32>
    %swap3A_36 = arith.constant 0 : index
    %swap3A_37 = arith.constant 0 : index
    %swap3A_38 = arith.constant 0 : index
    %swap3A_39 = vector.load %arg8[%swap3A_36, %swap3A_37, %swap3A_38] : memref<1x1024x64xf32, #tpu.memory_space<vmem>>, vector<1x1024x64xf32>
    %swap3A_40 = vector.shape_cast %swap3A_39 : vector<1x1024x64xf32> to vector<1024x64xf32>
    %swap3A_41 = vector.shape_cast %dot_general3A_35 : vector<1024x64xf32> to vector<1x1024x64xf32>
    tpu.vector_store %arg8[%swap3A_36, %swap3A_37, %swap3A_38], %swap3A_41 {strides = array<i32>} : memref<1x1024x64xf32, #tpu.memory_space<vmem>>, vector<1x1024x64xf32>,
    return
  }
  func.func @transform_0(%arg0: i32) -> (i32, i32, i32) {
    %c0_i32 = arith.constant 0 : i32
    %c0_i32_0 = arith.constant 0 : i32
    %c0_i32_1 = arith.constant 0 : i32
    return %arg0, %c0_i32, %c0_i32_0 : i32, i32, i32
  }
  func.func @transform_1(%arg0: i32) -> (i32, i32, i32) {
    %c0_i32 = arith.constant 0 : i32
    %c0_i32_0 = arith.constant 0 : i32
    %c0_i32_1 = arith.constant 0 : i32
    return %arg0, %c0_i32, %c0_i32_0 : i32, i32, i32
  }
  func.func @transform_2(%arg0: i32) -> (i32, i32, i32) {
    %c0_i32 = arith.constant 0 : i32
    %c0_i32_0 = arith.constant 0 : i32
    %c0_i32_1 = arith.constant 0 : i32
    return %arg0, %c0_i32, %c0_i32_0 : i32, i32, i32
  }
  func.func @transform_3(%arg0: i32) -> (i32, i32) {
    %c0_i32 = arith.constant 0 : i32
    %c0_i32_0 = arith.constant 0 : i32
    %c0_i32_1 = arith.constant 0 : i32
    return %c0_i32, %c0_i32_0 : i32, i32
  }
  func.func @transform_4(%arg0: i32) -> (i32, i32) {
    %c0_i32 = arith.constant 0 : i32
    %c0_i32_0 = arith.constant 0 : i32
    %c0_i32_1 = arith.constant 0 : i32
    return %c0_i32, %c0_i32_0 : i32, i32
  }
  func.func @transform_5(%arg0: i32) -> (i32, i32) {
    %c0_i32 = arith.constant 0 : i32
    %c0_i32_0 = arith.constant 0 : i32
    %c0_i32_1 = arith.constant 0 : i32
    return %c0_i32, %c0_i32_0 : i32, i32
  }
  func.func @transform_6(%arg0: i32) -> (i32, i32, i32) {
    %c0_i32 = arith.constant 0 : i32
    %c0_i32_0 = arith.constant 0 : i32
    %c0_i32_1 = arith.constant 0 : i32
    return %arg0, %c0_i32, %c0_i32_0 : i32, i32, i32
  }
  func.func @transform_7(%arg0: i32) -> (i32, i32, i32) {
    %c0_i32 = arith.constant 0 : i32
    %c0_i32_0 = arith.constant 0 : i32
    %c0_i32_1 = arith.constant 0 : i32
    return %arg0, %c0_i32, %c0_i32_0 : i32, i32, i32
  }
}

module attributes {stable_mosaic.version = 14 : i64} {
  func.func @_mlp_body(%arg0: i32, %arg1: i32, %arg2: memref<1x32x256x128xf32, #tpu.memory_space<vmem>>, %arg3: memref<1x256x64xf32, #tpu.memory_space<vmem>>, %arg4: memref<64x64xf32, #tpu.memory_space<vmem>>, %arg5: memref<1x64xf32, #tpu.memory_space<vmem>>, %arg6: memref<64x128xf32, #tpu.memory_space<vmem>>, %arg7: memref<1x128xf32, #tpu.memory_space<vmem>>, %arg8: memref<1x256x128xf32, #tpu.memory_space<vmem>>) attributes {dimension_semantics = [#tpu.dimension_semantics<arbitrary>, #tpu.dimension_semantics<arbitrary>], iteration_bounds = array<i64: 8, 4>, scalar_prefetch = 0 : i64, scratch_operands = 0 : i64, tpu.core_type = #tpu.core_type<tc>, window_params = [{transform_indices = @transform_0, window_bounds = array<i64: 1, 32, 256, 128>}, {transform_indices = @transform_1, window_bounds = array<i64: 1, 256, 64>}, {pipeline_mode = #tpu.pipeline_mode<synchronous>, transform_indices = @transform_2, window_bounds = array<i64: 64, 64>}, {pipeline_mode = #tpu.pipeline_mode<synchronous>, transform_indices = @transform_3, window_bounds = array<i64: 1, 64>}, {pipeline_mode = #tpu.pipeline_mode<synchronous>, transform_indices = @transform_4, window_bounds = array<i64: 64, 128>}, {pipeline_mode = #tpu.pipeline_mode<synchronous>, transform_indices = @transform_5, window_bounds = array<i64: 1, 128>}, {transform_indices = @transform_6, window_bounds = array<i64: 1, 256, 128>}]} {
    %get3A = arith.constant 0 : index
    %get3A_0 = arith.constant 0 : index
    %get3A_1 = arith.constant 0 : index
    %get3A_2 = vector.load %arg3[%get3A, %get3A_0, %get3A_1] : memref<1x256x64xf32, #tpu.memory_space<vmem>>, vector<1x256x64xf32>
    %get3A_3 = vector.shape_cast %get3A_2 : vector<1x256x64xf32> to vector<256x64xf32>
    %get3A_4 = arith.constant 0 : index
    %get3A_5 = arith.constant 0 : index
    %get3A_6 = vector.load %arg4[%get3A_4, %get3A_5] : memref<64x64xf32, #tpu.memory_space<vmem>>, vector<64x64xf32>
    %get3A_7 = arith.constant 0 : index
    %get3A_8 = arith.constant 0 : index
    %get3A_9 = vector.load %arg5[%get3A_7, %get3A_8] : memref<1x64xf32, #tpu.memory_space<vmem>>, vector<1x64xf32>
    %get3A_10 = arith.constant 0 : index
    %get3A_11 = arith.constant 0 : index
    %get3A_12 = vector.load %arg6[%get3A_10, %get3A_11] : memref<64x128xf32, #tpu.memory_space<vmem>>, vector<64x128xf32>
    %get3A_13 = arith.constant 0 : index
    %get3A_14 = arith.constant 0 : index
    %get3A_15 = vector.load %arg7[%get3A_13, %get3A_14] : memref<1x128xf32, #tpu.memory_space<vmem>>, vector<1x128xf32>
    %broadcast_in_dim3A = arith.constant 0xFF800000 : f32
    %broadcast_in_dim3A_16 = vector.broadcast %broadcast_in_dim3A : f32 to vector<256x128xf32>
    %scan3A = arith.constant 0 : i32
    %scan3A_17 = arith.constant 32 : i32
    %scan3A_18 = arith.addi %scan3A, %scan3A_17 : i32
    %scan3A_19 = arith.constant 1 : i32
    %scan3A_20 = scf.for %scan3A_27 = %scan3A to %scan3A_18 step %scan3A_19 iter_args(%scan3A_28 = %broadcast_in_dim3A_16) -> (vector<256x128xf32>)  : i32 {
      %get3A_29 = arith.constant 0 : index
      %get3A_30 = arith.index_cast %scan3A_27 : i32 to index
      %get3A_31 = arith.constant 0 : index
      %get3A_32 = arith.constant 0 : index
      %get3A_33 = vector.load %arg2[%get3A_29, %get3A_30, %get3A_31, %get3A_32] : memref<1x32x256x128xf32, #tpu.memory_space<vmem>>, vector<1x1x256x128xf32>
      %get3A_34 = vector.shape_cast %get3A_33 : vector<1x1x256x128xf32> to vector<256x128xf32>
      %slice3A = vector.extract_strided_slice %get3A_34 {offsets = [0, 0], sizes = [256, 64], strides = [1, 1]} : vector<256x128xf32> to vector<256x64xf32>
      %sub3A = arith.subf %slice3A, %get3A_3 : vector<256x64xf32>
      %max3A = arith.constant 0.000000e+00 : f32
      %max3A_35 = vector.broadcast %max3A : f32 to vector<256x64xf32>
      %max3A_36 = arith.maximumf %sub3A, %max3A_35 : vector<256x64xf32>
      %dot_general3A = arith.constant dense<0.000000e+00> : vector<256x64xf32>
      %dot_general3A_37 = tpu.matmul %max3A_36, %get3A_6, %dot_general3A {dimension_numbers = #tpu.dot_dimension_numbers<[1], [0], [0], [1], [0, 0, 1, 1], [], []>, transpose_lhs_hint = false} : vector<256x64xf32>, vector<64x64xf32>, vector<256x64xf32> -> vector<256x64xf32>
      %add3A = vector.broadcast %get3A_9 : vector<1x64xf32> to vector<256x64xf32>
      %add3A_38 = arith.addf %dot_general3A_37, %add3A : vector<256x64xf32>
      %max3A_39 = arith.constant 0.000000e+00 : f32
      %max3A_40 = vector.broadcast %max3A_39 : f32 to vector<256x64xf32>
      %max3A_41 = arith.maximumf %add3A_38, %max3A_40 : vector<256x64xf32>
      %dot_general3A_42 = arith.constant dense<0.000000e+00> : vector<256x128xf32>
      %dot_general3A_43 = tpu.matmul %max3A_41, %get3A_12, %dot_general3A_42 {dimension_numbers = #tpu.dot_dimension_numbers<[1], [0], [0], [1], [0, 0, 1, 1], [], []>, transpose_lhs_hint = false} : vector<256x64xf32>, vector<64x128xf32>, vector<256x128xf32> -> vector<256x128xf32>
      %add3A_44 = vector.broadcast %get3A_15 : vector<1x128xf32> to vector<256x128xf32>
      %add3A_45 = arith.addf %dot_general3A_43, %add3A_44 : vector<256x128xf32>
      %max3A_46 = arith.constant 0.000000e+00 : f32
      %max3A_47 = vector.broadcast %max3A_46 : f32 to vector<256x128xf32>
      %max3A_48 = arith.maximumf %add3A_45, %max3A_47 : vector<256x128xf32>
      %max3A_49 = arith.maximumf %scan3A_28, %max3A_48 : vector<256x128xf32>
      scf.yield %max3A_49 : vector<256x128xf32>
    }
    %scan3A_21 = arith.constant 32 : i32
    %swap3A = arith.constant 0 : index
    %swap3A_22 = arith.constant 0 : index
    %swap3A_23 = arith.constant 0 : index
    %swap3A_24 = vector.load %arg8[%swap3A, %swap3A_22, %swap3A_23] : memref<1x256x128xf32, #tpu.memory_space<vmem>>, vector<1x256x128xf32>
    %swap3A_25 = vector.shape_cast %swap3A_24 : vector<1x256x128xf32> to vector<256x128xf32>
    %swap3A_26 = vector.shape_cast %scan3A_20 : vector<256x128xf32> to vector<1x256x128xf32>
    tpu.vector_store %arg8[%swap3A, %swap3A_22, %swap3A_23], %swap3A_26 {strides = array<i32>} : memref<1x256x128xf32, #tpu.memory_space<vmem>>, vector<1x256x128xf32>,
    return
  }
  func.func @transform_0(%arg0: i32, %arg1: i32) -> (i32, i32, i32, i32) {
    %c0_i32 = arith.constant 0 : i32
    %c0_i32_0 = arith.constant 0 : i32
    %c0_i32_1 = arith.constant 0 : i32
    return %arg0, %c0_i32, %arg1, %c0_i32_0 : i32, i32, i32, i32
  }
  func.func @transform_1(%arg0: i32, %arg1: i32) -> (i32, i32, i32) {
    %c0_i32 = arith.constant 0 : i32
    %c0_i32_0 = arith.constant 0 : i32
    return %arg0, %arg1, %c0_i32 : i32, i32, i32
  }
  func.func @transform_2(%arg0: i32, %arg1: i32) -> (i32, i32) {
    %c0_i32 = arith.constant 0 : i32
    %c0_i32_0 = arith.constant 0 : i32
    %c0_i32_1 = arith.constant 0 : i32
    return %c0_i32, %c0_i32_0 : i32, i32
  }
  func.func @transform_3(%arg0: i32, %arg1: i32) -> (i32, i32) {
    %c0_i32 = arith.constant 0 : i32
    %c0_i32_0 = arith.constant 0 : i32
    %c0_i32_1 = arith.constant 0 : i32
    return %c0_i32, %c0_i32_0 : i32, i32
  }
  func.func @transform_4(%arg0: i32, %arg1: i32) -> (i32, i32) {
    %c0_i32 = arith.constant 0 : i32
    %c0_i32_0 = arith.constant 0 : i32
    %c0_i32_1 = arith.constant 0 : i32
    return %c0_i32, %c0_i32_0 : i32, i32
  }
  func.func @transform_5(%arg0: i32, %arg1: i32) -> (i32, i32) {
    %c0_i32 = arith.constant 0 : i32
    %c0_i32_0 = arith.constant 0 : i32
    %c0_i32_1 = arith.constant 0 : i32
    return %c0_i32, %c0_i32_0 : i32, i32
  }
  func.func @transform_6(%arg0: i32, %arg1: i32) -> (i32, i32, i32) {
    %c0_i32 = arith.constant 0 : i32
    %c0_i32_0 = arith.constant 0 : i32
    return %arg0, %arg1, %c0_i32 : i32, i32, i32
  }
}

</mosaic_0001>

<sc_bundles>
// kernel: kernel.6.cloned.1.call-start
scs
__scs_entry_jumppad:
0x0: {  	(pc) =	sbr.rel $0x88, $3  }
0x1: {  	(tag) =	ssettag $0x0;
	lr =	simm.s32 $0x1  }
0x2: {  	[smem:$0x3F99] =	sst lr;
	_ =	strace $0xD0000000  }
0x3: {  	_ = 	snop  }
0x4: {  	_ = 	snop  }
0x5: {  	_ = 	snop  }
0x6: {  	_ = 	snop  }
0x7: {  	_ = 	snop  }
__scs_overlays_trampoline_lowered:
0x8: {  	[smem:$0x3FA8] =	sst s0  }
0x9: {  	[smem:$0x3FA9] =	sst s1  }
0xa: {  	[smem:$0x3FAA] =	sst s2  }
0xb: {  	[smem:$0x3FAB] =	sst s3  }
0xc: {  	[smem:$0x3FAC] =	sst s4  }
0xd: {  	[smem:$0x3FAD] =	sst s5  }
0xe: {  	[smem:$0x3FAE] =	sst s6  }
0xf: {  	[smem:$0x3FAF] =	sst s7  }
0x10: {  	[smem:$0x3FB0] =	sst s8  }
0x11: {  	[smem:$0x3FB1] =	sst s9;
	s0 =	simm.s32 @!p0 $0x0  }
0x12: {  	s1 =	sld [smem:$0x3F97];
	s0 =	simm.s32 @p0 $0x1  }
0x13: {  	[smem:$0x3FB2] =	sst s0;
	s0 =	simm.s32 @!p1 $0x0  }
0x14: {  	s2 =	sld [smem:$0x3F96];
	s0 =	simm.s32 @p1 $0x1  }
0x15: {  	[smem:$0x3FB3] =	sst s0;
	s0 =	simm.s32 @!p2 $0x0  }
0x16: {  	s3 =	sld [smem:$0x3FDB];
	s0 =	simm.s32 @p2 $0x1  }
0x17: {  	s4 =	simm.s32 $0x1BF5;
	[smem:$0x3FB5] =	sst s0  }
0x18: {  	s0 =	sld [smem:$0x3F98];
	_ =	swait.ge [sflag:s4], $0x0  }
0x19: {  	s7 =	sld [smem:$0x3F99]  }
0x1a: {  	s8 =	sadd.s32 $0xFFFFE003, lr  }
0x1b: {  	s9 =	sadd.s32 $0xFFFFFEF7, lr;
	s5 =	simm.s32 $0xFFFFFFFF;
	p2 =	slt.u32 s8, $0xFFFFF086  }
0x1c: {  	p1 =	slt.u32 s9, $0xF7A;
	s5 =	simm.s32 @!p2 $0x0  }
0x1d: {  	s5 =	simm.s32 @p1 $0x1;
	p0 =	seq.s32 s7, s2  }
0x1e: {  	s7 =	smul.u32 @!p0 $0xF7A, s2;
	p2 =	seq.s32 @!p0 s5, $0x0  }
0x1f: {  	s9 =	smul.u32 $0xF7A, s1;
	s8 =	simm.s32 @!p0 $0x1BF5;
	p2 =	por !p2, p0  }
0x20: {  	[sflag:s8] =	ssyncset.s32 @!p0 $0xFFFFF086;
	s6 =	sadd.s32 @!p0 s3, s7;
	s7 =	simm.s32 @!p0 $0x108  }
0x21: {  	s3 =	sadd.s32 s3, s9;
	s6 =	sadd.s32 @!p0 $0x88, s6;
	s7 =	simm.s32 @p2 $0x1082  }
0x22: {  	[simem:s7], [sflag:s8] =	dma.local @!p0 [hbm:s6], $0xF7A  }
0x23: {  	s9 =	sor.u32 $0xD0000000, s2;
	s6 =	simm.s32 $0x108;
	_ =	swait.ge @!p0 [sflag:s8], $0x0  }
0x24: {  	s3 =	sadd.s32 $0x88, s3;
	s6 =	simm.s32 @!p1 $0x1082;
	[sflag:s4] =	ssyncset.s32 $0xFFFFF086  }
0x25: {  	[simem:s6], [sflag:s4] =	dma.local [hbm:s3], $0xF7A  }
0x26: {  	[smem:$0x3F99] =	sst s1;
	(tag) =	ssettag s2;
	_ =	strace s9  }
0x27: {  	s1 =	sld [smem:$0x3FA9]  }
0x28: {  	s2 =	sld [smem:$0x3FAA]  }
0x29: {  	s4 =	sld [smem:$0x3FAC]  }
0x2a: {  	p0 =	seq.s32 s5, $0x0;
	s5 =	sld [smem:$0x3FAD]  }
0x2b: {  	s6 =	sld [smem:$0x3FAE]  }
0x2c: {  	s7 =	sld [smem:$0x3FAF]  }
0x2d: {  	s3 =	simm.s32 $0x108;
	s8 =	sld [smem:$0x3FB0]  }
0x2e: {  	s3 =	simm.s32 @!p0 $0x1082;
	s9 =	sld [smem:$0x3FB1]  }
0x2f: {  	lr =	sadd.s32 s0, s3;
	s0 =	sld [smem:$0x3FA8]  }
0x30: {  	s3 =	sld [smem:$0x3FAB]  }
0x31: {  	[smem:$0x3FB4] =	sst s10  }
0x32: {  	s10 =	sld [smem:$0x3FB2];
	_ =	sdelay $0x3  }
0x33: {  	p0 =	seq.s32 s10, $0x1;
	s10 =	sld [smem:$0x3FB4];
	_ =	sdelay $0x3  }
0x34: {  	[smem:$0x3FB4] =	sst s10  }
0x35: {  	s10 =	sld [smem:$0x3FB3];
	_ =	sdelay $0x3  }
0x36: {  	p1 =	seq.s32 s10, $0x1;
	s10 =	sld [smem:$0x3FB4];
	_ =	sdelay $0x3  }
0x37: {  	[smem:$0x3FB4] =	sst s10  }
0x38: {  	s10 =	sld [smem:$0x3FB5]  }
0x39: {  	_ = 	snop;
	(pc) =	sbr.ind lr, $3  }
0x3a: {  	_ = 	snop  }
0x3b: {  	_ = 	snop  }
0x3c: {  	p2 =	seq.s32 s10, $0x1;
	s10 =	sld [smem:$0x3FB4]  }
0x3d: {  	_ =	shalt  }
0x3e: {  	_ =	shalt  }
0x3f: {  	_ =	shalt  }
0x40: {  	_ =	shalt  }
0x41: {  	_ =	shalt  }
0x42: {  	_ =	shalt  }
0x43: {  	_ =	shalt  }
0x44: {  	_ =	shalt  }
0x45: {  	_ =	shalt  }
0x46: {  	_ =	shalt  }
0x47: {  	_ =	shalt  }
0x48: {  	_ =	shalt  }
0x49: {  	_ =	shalt  }
0x4a: {  	_ =	shalt  }
0x4b: {  	_ =	shalt  }
0x4c: {  	_ =	shalt  }
0x4d: {  	_ =	shalt  }
0x4e: {  	_ =	shalt  }
0x4f: {  	_ =	shalt  }
0x50: {  	_ =	shalt  }
0x51: {  	_ =	shalt  }
0x52: {  	_ =	shalt  }
0x53: {  	_ =	shalt  }
0x54: {  	_ =	shalt  }
0x55: {  	_ =	shalt  }
0x56: {  	_ =	shalt  }
0x57: {  	_ =	shalt  }
0x58: {  	_ =	shalt  }
0x59: {  	_ =	shalt  }
0x5a: {  	_ =	shalt  }
0x5b: {  	_ =	shalt  }
0x5c: {  	_ =	shalt  }
0x5d: {  	_ =	shalt  }
0x5e: {  	_ =	shalt  }
0x5f: {  	_ =	shalt  }
0x60: {  	_ =	shalt  }
0x61: {  	_ =	shalt  }
0x62: {  	_ =	shalt  }
0x63: {  	_ =	shalt  }
0x64: {  	_ =	shalt  }
0x65: {  	_ =	shalt  }
0x66: {  	_ =	shalt  }
0x67: {  	_ =	shalt  }
0x68: {  	_ =	shalt  }
0x69: {  	_ =	shalt  }
0x6a: {  	_ =	shalt  }
0x6b: {  	_ =	shalt  }
0x6c: {  	_ =	shalt  }
0x6d: {  	_ =	shalt  }
0x6e: {  	_ =	shalt  }
0x6f: {  	_ =	shalt  }
0x70: {  	_ =	shalt  }
0x71: {  	_ =	shalt  }
0x72: {  	_ =	shalt  }
0x73: {  	_ =	shalt  }
0x74: {  	_ =	shalt  }
0x75: {  	_ =	shalt  }
0x76: {  	_ =	shalt  }
0x77: {  	_ =	shalt  }
0x78: {  	_ =	shalt  }
0x79: {  	_ =	shalt  }
0x7a: {  	_ =	shalt  }
0x7b: {  	_ =	shalt  }
0x7c: {  	_ =	shalt  }
0x7d: {  	_ =	shalt  }
0x7e: {  	_ =	shalt  }
0x7f: {  	_ =	shalt  }
0x80: {  	_ =	shalt  }
0x81: {  	_ =	shalt  }
0x82: {  	_ =	shalt  }
0x83: {  	_ =	shalt  }
0x84: {  	_ =	shalt  }
0x85: {  	_ =	shalt  }
0x86: {  	_ =	shalt  }
0x87: {  	_ =	shalt  }
.Lfunc_end0:
.L_simem_size_0:
called_computation_lowered:
.L_overlay_start_0:
0x88: {  	s2 =	sld [smem:$0x3FD9]  }
0x89: {  	s3 =	sld [smem:$0x3FFE];
	_ =	sdelay $0x1  }
0x8a: {  	s1 =	srdreg.scid  }
0x8b: {  	s0 =	sand.u32 $0x1, s1  }
0x8c: {  	s16 =	sshll.u32 s0, $0xA;
	s2 =	sadd.s32 s3, s2  }
0x8d: {  	s2 =	sadd.s32 s2, s16  }
0x8e: {  	[smem:$0x3FC0] =	sst s2  }
0x8f: {  	_ = 	snop  }
0x90: {  	(tm) =	ssettm $0x1  }
0x91: {  	s17 =	sld [smem:$0x3FFB];
	_ =	sdelay $0x3  }
0x92: {  	_ =	strace s17  }
0x93: {  	s2 =	sld [smem:$0x3FFC];
	_ =	sdelay $0x3  }
0x94: {  	_ =	strace s2  }
0x95: {  	s2 =	sld [smem:$0x3FFD];
	_ =	sdelay $0x3  }
0x96: {  	_ =	strace s2  }
0x97: {  	_ =	strace $0x8FFFFFFF  }
0x98: {  	s18 =	sld [smem:$0x3FDB];
	_ =	sdelay $0x1  }
0x99: {  	s19 =	simm.s32 $_scs_section_size  }
0x9a: {  	s4 =	simm.s32 $_size__tile_overlayer_lowered;
	s5 =	simm.s32 $_tile_overlayer_lowered  }
0x9b: {  	s22 =	simm.s32 $0x1BFF;
	s21 =	sshll.u32 s5, $0x1;
	s2 =	sadd.s32 s19, s18  }
0x9c: {  	s6 =	simm.s32 $0x0;
	s20 =	sshll.u32 s4, $0x1;
	s4 =	sadd.s32 s21, s2  }
0x9d: {  	[timem:s6], [sflag:s22] =	dma.local [hbm:s4], s20  }
0x9e: {  	_ =	swait.ge [sflag:s22], s20  }
0x9f: {  	s3 =	ssub.s32 $0x0, s20;
	[sflag:s22] =	ssyncset.done $0x0  }
0xa0: {  	[sflag:s22] =	ssyncadd.s32 s3;
	_ =	sdelay $0x1  }
0xa1: {  	s23 =	simm.s32 $0x1B8B  }
0xa2: {  	_ =	swait.ge [sflag:s23], $0x1  }
0xa3: {  	[sflag:s23] =	ssyncset.done $0x0  }
0xa4: {  	s25 =	simm.s32 $0x1B8E;
	s24 =	sld [smem:$0x3FFE];
	[sflag:s23] =	ssyncadd.s32 $0xFFFFFFFF  }
0xa5: {  	s26 =	simm.s32 $execute0_lowered;
	[smem:$0x3FD2] =	sst s25  }
0xa6: {  	s4 =	sshll.u32 s26, $0x1;
	_ =	strace $0x80000046;
	[dreg:$0x1] =	wrdreg $0xFFFFFFFF  }
0xa7: {  	s28 =	simm.s32 $_size_execute0_lowered;
	s2 =	sadd.s32 s2, s4;
	[dreg:$0x0] =	wrdreg $0x0  }
0xa8: {  	s4 =	sshll.u32 s28, $0x1;
	[dreg:$0x2] =	wrdreg s2  }
0xa9: {  	[dreg:$0x3] =	wrdreg s4  }
0xaa: {  	[dreg:$0x4] =	wrdreg $0xC0  }
0xab: {  	_ =	task [dreg:s6], $0x5FFFF  }
0xac: {  	[dreg:$0x1] =	wrdreg $0xFFFFFFFF  }
0xad: {  	[dreg:$0x0] =	wrdreg $0x60  }
0xae: {  	[dreg:$0x2] =	wrdreg s24  }
0xaf: {  	[dreg:$0x3] =	wrdreg $0x9  }
0xb0: {  	_ =	task.clear_ibuf [dreg:s6], $0x4FFFF;
	_ =	strace $0x90000046  }
0xb1: {  	s29 =	simm.s32 $0x9;
	_ =	strace $0x80000048  }
0xb2: {  	_ =	swait.ge [sflag:s29], $0x1  }
0xb3: {  	[sflag:s29] =	ssyncadd.s32 $0xFFFFFFFF  }
0xb4: {  	_ =	strace $0x90000048  }
0xb5: {  	_ =	sfence  }
0xb6: {  	s30 =	sld [smem:$0x0];
	_ =	sdelay $0x2  }
0xb7: {  	s31 =	sshll.u32 s1, $0xD;
	s1 =	sshrl.u32 s1, $0x2  }
0xb8: {  	s3 =	sand.u32 $0x4000, s31;
	s1 =	sadd.s32 s1, s30  }
0xb9: {  	s0 =	sor.u32 s3, s0;
	s1 =	sshll.u32 s1, $0x11  }
0xba: {  	s0 =	sor.u32 s1, s0  }
0xbb: {  	s0 =	sadd.s32 $0x8F2B, s0  }
0xbc: {  	[sflag:s0] =	ssyncadd.remote.s32 $0x1  }
0xbd: {  	_ =	sfence.sel $0xFFFF  }
0xbe: {  	[dreg:$0x0] =	wrdreg $0xFFFFFFFF;
	(pc) =	sbr.abs _section_cstart, $3  }
0xbf: {  	[dreg:$0x1] =	wrdreg $0xFFFFFFFF  }
0xc0: {  	_ =	task.clear_ibuf [dreg:s6], $0x2FFFF;
	_ =	strace $0x9FFFFFFF  }
0xc1: {  	(tm) =	ssettm $0x7FFFFFFF  }
tec
execute0_lowered:
.L_overlay_start_1:
0x0: {  	(tag) =	ssettag $0x1  }
0x1: {  	s0 =	rddreg [dreg:$0x0];
	s1 =	simm.s32 $0x0;
	s19 =	stileid.u32  }
0x2: {  	s4 =	srdreg.scid;
	[smem:$0x7FF] =	sst s1;
	s2 =	sadd.s32 $0x1E00, s0  }
0x3: {  	s9 =	sadd.s32 $0x4E00, s0;
	s3 =	sadd.s32 $0x105A00, s0;
	s10 =	sshrl.u32 s19, $0x1  }
0x4: {  	s11 =	sand.u32 $0x1, s4;
	s20 =	sshll.u32 s19, $0x1;
	s29 =	sand.u32 $0x1, s19  }
0x5: {  	s19 =	simm.s32 $0x3180;
	_ =	strace $0x80000047;
	s6 =	smul.u32 $0x3, s10  }
0x6: {  	s17 =	sshll.u32 s10, $0x13;
	s5 =	ssub.s32 $0x2, s11;
	s7 =	smul.u32 $0x180, s10  }
0x7: {  	s4 =	sand.u32 $0x2, s20;
	s31 =	sshll.u32 s29, $0xD;
	s10 =	sshll.u32 s10, $0xC  }
0x8: {  	s20 =	simm.s32 $0x3300;
	s0 =	sadd.s32 s17, s0;
	s18 =	sshrl.u32 s5, $0x1  }
0x9: {  	s13 =	sor.u32 s11, s4;
	s11 =	sshll.u32 s11, $0xC;
	s12 =	ssub.s32 s5, s18  }
0xa: {  	s21 =	sshrl.u32 s6, $0x3;
	s7 =	sand.u32 $0x380, s7;
	s23 =	sadd.s32 $0x1, s6  }
0xb: {  	s6 =	sadd.s32 $0x2, s6;
	s13 =	sshll.u32 s13, $0xB;
	s0 =	sadd.s32 s31, s0  }
0xc: {  	s8 =	sshll.u32 s21, $0xF;
	s14 =	sshrl.u32 s23, $0x3;
	s16 =	sshll.u32 s6, $0x7  }
0xd: {  	s17 =	sshrl.u32 s6, $0x3;
	s18 =	sshll.u32 s21, $0xD;
	s0 =	sadd.s32 s11, s0  }
0xe: {  	s11 =	smax.u32 s12, $0x1;
	s21 =	simm.s32 $0x3480;
	s22 =	sor.u32 s7, s8  }
0xf: {  	s8 =	sshll.u32 s23, $0x7;
	s15 =	sshll.u32 s14, $0xF;
	s16 =	sand.u32 $0x380, s16  }
0x10: {  	s6 =	sshll.u32 s17, $0xF;
	s24 =	sor.u32 s13, s18;
	s14 =	sshll.u32 s14, $0xD  }
0x11: {  	s28 =	sshll.u32 s17, $0xD;
	s12 =	sadd.s32 $0x185A00, s0;
	s18 =	simm.s32 $0x3000  }
0x12: {  	s23 =	simm.s32 $0x5600;
	s4 =	sshrl.u32 s22, $0x3;
	s8 =	sand.u32 $0x380, s8  }
0x13: {  	s6 =	sor.u32 s16, s6;
	s7 =	sor.u32 s7, s24;
	s14 =	sor.u32 s13, s14  }
0x14: {  	s13 =	sor.u32 s13, s28;
	s22 =	simm.s32 $0x100;
	s24 =	simm.s32 $0x1  }
0x15: {  	s4 =	sadd.s32 s2, s4;
	s15 =	sor.u32 s8, s15;
	s6 =	sshrl.u32 s6, $0x3  }
0x16: {  	s25 =	sshrl.u32 s7, $0x3;
	s26 =	sor.u32 s8, s14;
	s30 =	sor.u32 s16, s13  }
0x17: {  	v0 =	vlaneseq.u32;
	s13 =	simm.s32 $0x80;
	s14 =	simm.s32 $0x400;
	s15 =	sshrl.u32 s15, $0x3  }
0x18: {  	v1 =	vmul.u32 $0x100, v0;
	s6 =	sadd.s32 s2, s6;
	s5 =	sadd.s32 s2, s15;
	s2 =	sshrl.u32 s26, $0x3  }
0x19: {  	s7 =	sadd.s32 s9, s25;
	s8 =	sadd.s32 s9, s2;
	s2 =	sshrl.u32 s30, $0x3  }
0x1a: {  	v2 =	vor.u32 $0x10, v0;
	v3 =	vor.u32 $0x1000, v1;
	s25 =	simm.s32 $0x0;
	s15 =	simm.s32 $0x2;
	s9 =	sadd.s32 s9, s2  }
.LBB2_1:
0x1b: {  	[tilespmem:s1], [sflag:$0x2] =	stream.strided.gather [hbm4b:s4+s13], $0x1000, s14, s13, $0x38;
	[tilespmem:$0xD600] =	vst v63  }
0x1c: {  	_ =	swait.ge [sflag:s15], $0x1000  }
0x1d: {  	[sflag:s15] =	ssyncset.done $0x0  }
0x1e: {  	s0 =	simm.s32 $0x1000;
	[sflag:s15] =	ssyncadd.s32 $0xFFFFF000  }
0x1f: {  	[tilespmem:s0], [sflag:$0x2] =	stream.strided.gather [hbm4b:s5+s13], $0x1000, s14, s13, $0x38;
	[tilespmem:$0xD600] =	vst v63  }
0x20: {  	_ =	swait.ge [sflag:s15], $0x1000  }
0x21: {  	[sflag:s15] =	ssyncset.done $0x0  }
0x22: {  	s31 =	simm.s32 $0x2000;
	[sflag:s15] =	ssyncadd.s32 $0xFFFFF000  }
0x23: {  	[tilespmem:s31], [sflag:$0x2] =	stream.strided.gather [hbm4b:s6+s13], $0x1000, s14, s13, $0x38;
	[tilespmem:$0xD600] =	vst v63  }
0x24: {  	_ =	swait.ge [sflag:s15], $0x1000  }
0x25: {  	[sflag:s15] =	ssyncset.done $0x0  }
0x26: {  	[sflag:s15] =	ssyncadd.s32 $0xFFFFF000  }
0x27: {  	[tilespmem:s18], [sflag:$0x2] =	stream.strided.gather [hbm4b:s7+s13], $0x100, s14, s13, $0x38;
	[tilespmem:$0xD600] =	vst v63  }
0x28: {  	_ =	swait.ge [sflag:s15], $0x100  }
0x29: {  	[sflag:s15] =	ssyncset.done $0x0  }
0x2a: {  	[sflag:s15] =	ssyncadd.s32 $0xFFFFFF00  }
0x2b: {  	[tilespmem:s19], [sflag:$0x2] =	stream.strided.gather [hbm4b:s8+s13], $0x100, s14, s13, $0x38;
	[tilespmem:$0xD600] =	vst v63  }
0x2c: {  	_ =	swait.ge [sflag:s15], $0x100  }
0x2d: {  	[sflag:s15] =	ssyncset.done $0x0  }
.Ltmp0:
0x2e: {  	[sflag:s15] =	ssyncadd.s32 $0xFFFFFF00;
	(pc) =	sbr.rel .LBB2_2-.Ltmp0, $4  }
0x2f: {  	[tilespmem:s20], [sflag:$0x2] =	stream.strided.gather [hbm4b:s9+s13], $0x100, s14, s13, $0x38;
	[tilespmem:$0xD600] =	vst v63  }
0x30: {  	_ =	swait.ge [sflag:s15], $0x100  }
0x31: {  	[sflag:s15] =	ssyncset.done $0x0  }
0x32: {  	s26 =	simm.s32 $0x0;
	[sflag:s15] =	ssyncadd.s32 $0xFFFFFF00  }
.LBB2_6:
0x33: {  	v4 =	vld [tilespmem:$0x5480];
	_ =	sdelay $0x2  }
0x34: {  	v5 =	vld [tilespmem:$0x5490];
	v6 =	vor.u32 s26, v1;
	v7 =	vor.u32 s26, v3;
	s26 =	sadd.s32 $0x1, s26  }
0x35: {  	p0 =	sne.s32 s26, $0x100  }
.Ltmp1:
0x36: {  	v8 =	vmov s2;
	v9 =	vbroadcast v4, $0x0;
	(pc) =	sbr.rel @!p0 .LBB2_7-.Ltmp1, $4  }
0x37: {  	vm0 =	vgt.s32 v8, v0  }
0x38: {  	vm15 =	vgt.s32 v8, v2;
	v4 =	vsel vm0, v4, v9  }
0x39: {  	v5 =	vsel vm15, v5, v9;
	[tilespmem:v6+s21+$0x0] =	vst.idx.msk $0xffff, v4  }
0x3a: {  	[tilespmem:v7+s21+$0x0] =	vst.idx.msk $0xffff, v5  }
.LBB2_2:
.Ltmp2:
0x3b: {  	(pc) =	sbr.rel .LBB2_3-.Ltmp2, $4  }
0x3c: {  	_ = 	snop  }
0x3d: {  	v4 =	vld.msk [tilespmem:s26+$0x3000 ss:$0x0], $0xffff  }
0x3e: {  	v5 =	vld.msk [tilespmem:s26+$0x3180 ss:$0x0], $0xffff;
	s28 =	simm.s32 $0x0;
	s29 =	simm.s32 $0x2080  }
0x3f: {  	v6 =	vld.msk [tilespmem:s26+$0x3300 ss:$0x0], $0xffff;
	s30 =	simm.s32 $0x1080;
	s31 =	simm.s32 $0x80;
	s2 =	simm.s32 $0x0  }
.LBB2_5:
0x40: {  	s28 =	sadd.s32 $0x100, s28  }
0x41: {  	p0 =	sne.s32 s28, $0x1000  }
.Ltmp3:
0x42: {  	_ = 	snop;
	(pc) =	sbr.rel @!p0 .LBB2_6-.Ltmp3, $2  }
0x43: {  	_ =	sdelay $0x2  }
0x44: {  	s29 =	sadd.s32 $0x100, s29;
	s30 =	sadd.s32 $0x100, s30;
	s31 =	sadd.s32 $0x100, s31  }
.LBB2_3:
0x45: {  	p0 =	sgt.s32 s2, $0x1F  }
.Ltmp4:
0x46: {  	_ = 	snop;
	(pc) =	sbr.rel @p0 .LBB2_5-.Ltmp4, $1  }
0x47: {  	_ =	sdelay $0x3  }
0x48: {  	v7 =	vld [tilespmem:s31+$0xFFFFFF80]  }
0x49: {  	v8 =	vld [tilespmem:s30+$0xFFFFFF80];
	_ =	sdelay $0x1  }
0x4a: {  	v9 =	vld [tilespmem:s29+$0xFFFFFF80];
	_ =	sdelay $0x2  }
0x4b: {  	v7 =	vsub.f32 v7, v4;
	v8 =	vsub.f32 v8, v5;
	_ =	sdelay $0x1  }
0x4c: {  	v9 =	vsub.f32 v9, v6;
	v7 =	vmul.f32 v7, v7;
	v8 =	vmul.f32 v8, v8;
	_ =	sdelay $0x1  }
0x4d: {  	v7 =	vadd.f32 v8, v7;
	v8 =	vmul.f32 v9, v9;
	_ =	sdelay $0x1  }
0x4e: {  	v7 =	vadd.f32 v8, v7  }
0x4f: {  	s0 =	sadd.s32 s28, s10  }
0x50: {  	vm0 =	vle.f32 v7, $3.999999910e-02;
	v7 =	vor.u32 s0, v0  }
0x51: {  	[tilespmem:s2+$0x5480] =	vst.msk vm0, v7;
	v7 =	vmpcnt.ones.xlane vm0  }
0x52: {  	v8 =	vld [tilespmem:s31+$0xFFFFFF90]  }
0x53: {  	(v2sf) =	vpush v7, $0x0;
	v7 =	vld [tilespmem:s30+$0xFFFFFF90];
	_ =	sdelay $0x1  }
0x54: {  	v49 =	vld [tilespmem:s29+$0xFFFFFF90];
	_ =	sdelay $0x2  }
0x55: {  	v8 =	vsub.f32 v8, v4;
	v7 =	vsub.f32 v7, v5;
	_ =	sdelay $0x1  }
0x56: {  	v9 =	vsub.f32 v49, v6;
	v8 =	vmul.f32 v8, v8;
	v7 =	vmul.f32 v7, v7;
	_ =	sdelay $0x1  }
0x57: {  	v7 =	vadd.f32 v7, v8;
	v8 =	vmul.f32 v9, v9;
	_ =	sdelay $0x1  }
0x58: {  	v7 =	vadd.f32 v8, v7;
	_ =	sdelay $0x1  }
0x59: {  	vm13 =	vle.f32 v7, $3.999999910e-02  }
0x5a: {  	v7 =	vmpcnt.ones.xlane vm13  }
0x5b: {  	s17 =	sadd.s32 $0x10, s0;
	s16 =	spop (v2sf)  }
0x5c: {  	v8 =	vor.u32 s17, v0;
	s2 =	sadd.s32 s2, s16;
	(v2sf) =	vpush v7, $0x0  }
0x5d: {  	[tilespmem:s2+$0x5480] =	vst.msk vm13, v8  }
0x5e: {  	v7 =	vld [tilespmem:s31+$0xFFFFFFA0]  }
0x5f: {  	v8 =	vld [tilespmem:s30+$0xFFFFFFA0];
	_ =	sdelay $0x1  }
0x60: {  	v50 =	vld [tilespmem:s29+$0xFFFFFFA0];
	_ =	sdelay $0x2  }
0x61: {  	v7 =	vsub.f32 v7, v4;
	v8 =	vsub.f32 v8, v5;
	_ =	sdelay $0x1  }
0x62: {  	v9 =	vsub.f32 v50, v6;
	v7 =	vmul.f32 v7, v7;
	v8 =	vmul.f32 v8, v8;
	_ =	sdelay $0x1  }
0x63: {  	v7 =	vadd.f32 v8, v7;
	v8 =	vmul.f32 v9, v9;
	_ =	sdelay $0x1  }
0x64: {  	v7 =	vadd.f32 v8, v7  }
0x65: {  	s17 =	sadd.s32 $0x20, s0;
	s16 =	spop (v2sf)  }
0x66: {  	vm14 =	vle.f32 v7, $3.999999910e-02;
	v7 =	vor.u32 s17, v0;
	s2 =	sadd.s32 s2, s16  }
0x67: {  	[tilespmem:s2+$0x5480] =	vst.msk vm14, v7;
	v7 =	vmpcnt.ones.xlane vm14  }
0x68: {  	v8 =	vld [tilespmem:s31+$0xFFFFFFB0]  }
0x69: {  	(v2sf) =	vpush v7, $0x0;
	v7 =	vld [tilespmem:s30+$0xFFFFFFB0];
	_ =	sdelay $0x1  }
0x6a: {  	v51 =	vld [tilespmem:s29+$0xFFFFFFB0];
	_ =	sdelay $0x2  }
0x6b: {  	v8 =	vsub.f32 v8, v4;
	v7 =	vsub.f32 v7, v5;
	_ =	sdelay $0x1  }
0x6c: {  	v9 =	vsub.f32 v51, v6;
	v8 =	vmul.f32 v8, v8;
	v7 =	vmul.f32 v7, v7;
	_ =	sdelay $0x1  }
0x6d: {  	v7 =	vadd.f32 v7, v8;
	v8 =	vmul.f32 v9, v9;
	_ =	sdelay $0x1  }
0x6e: {  	v7 =	vadd.f32 v8, v7;
	_ =	sdelay $0x1  }
0x6f: {  	vm15 =	vle.f32 v7, $3.999999910e-02  }
0x70: {  	v7 =	vmpcnt.ones.xlane vm15  }
0x71: {  	s17 =	sadd.s32 $0x30, s0;
	s16 =	spop (v2sf)  }
0x72: {  	v8 =	vor.u32 s17, v0;
	s2 =	sadd.s32 s2, s16;
	(v2sf) =	vpush v7, $0x0  }
0x73: {  	[tilespmem:s2+$0x5480] =	vst.msk vm15, v8  }
0x74: {  	v7 =	vld [tilespmem:s31+$0xFFFFFFC0]  }
0x75: {  	v8 =	vld [tilespmem:s30+$0xFFFFFFC0];
	_ =	sdelay $0x1  }
0x76: {  	v52 =	vld [tilespmem:s29+$0xFFFFFFC0];
	_ =	sdelay $0x2  }
0x77: {  	v7 =	vsub.f32 v7, v4;
	v8 =	vsub.f32 v8, v5;
	_ =	sdelay $0x1  }
0x78: {  	v9 =	vsub.f32 v52, v6;
	v7 =	vmul.f32 v7, v7;
	v8 =	vmul.f32 v8, v8;
	_ =	sdelay $0x1  }
0x79: {  	v7 =	vadd.f32 v8, v7;
	v8 =	vmul.f32 v9, v9;
	_ =	sdelay $0x1  }
0x7a: {  	v7 =	vadd.f32 v8, v7  }
0x7b: {  	s17 =	sadd.s32 $0x40, s0;
	s16 =	spop (v2sf)  }
0x7c: {  	vm4 =	vle.f32 v7, $3.999999910e-02;
	v7 =	vor.u32 s17, v0;
	s2 =	sadd.s32 s2, s16  }
0x7d: {  	[tilespmem:s2+$0x5480] =	vst.msk vm4, v7;
	v7 =	vmpcnt.ones.xlane vm4  }
0x7e: {  	v8 =	vld [tilespmem:s31+$0xFFFFFFD0]  }
0x7f: {  	(v2sf) =	vpush v7, $0x0;
	v7 =	vld [tilespmem:s30+$0xFFFFFFD0];
	_ =	sdelay $0x1  }
0x80: {  	v53 =	vld [tilespmem:s29+$0xFFFFFFD0];
	_ =	sdelay $0x2  }
0x81: {  	v8 =	vsub.f32 v8, v4;
	v7 =	vsub.f32 v7, v5;
	_ =	sdelay $0x1  }
0x82: {  	v9 =	vsub.f32 v53, v6;
	v8 =	vmul.f32 v8, v8;
	v7 =	vmul.f32 v7, v7;
	_ =	sdelay $0x1  }
0x83: {  	v7 =	vadd.f32 v7, v8;
	v8 =	vmul.f32 v9, v9;
	_ =	sdelay $0x1  }
0x84: {  	v7 =	vadd.f32 v8, v7;
	_ =	sdelay $0x1  }
0x85: {  	vm5 =	vle.f32 v7, $3.999999910e-02  }
0x86: {  	v7 =	vmpcnt.ones.xlane vm5  }
0x87: {  	s17 =	sadd.s32 $0x50, s0;
	s16 =	spop (v2sf)  }
0x88: {  	v8 =	vor.u32 s17, v0;
	s2 =	sadd.s32 s2, s16;
	(v2sf) =	vpush v7, $0x0  }
0x89: {  	[tilespmem:s2+$0x5480] =	vst.msk vm5, v8  }
0x8a: {  	v7 =	vld [tilespmem:s31+$0xFFFFFFE0]  }
0x8b: {  	v8 =	vld [tilespmem:s30+$0xFFFFFFE0];
	_ =	sdelay $0x1  }
0x8c: {  	v54 =	vld [tilespmem:s29+$0xFFFFFFE0];
	_ =	sdelay $0x2  }
0x8d: {  	v7 =	vsub.f32 v7, v4;
	v8 =	vsub.f32 v8, v5;
	_ =	sdelay $0x1  }
0x8e: {  	v9 =	vsub.f32 v54, v6;
	v7 =	vmul.f32 v7, v7;
	v8 =	vmul.f32 v8, v8;
	_ =	sdelay $0x1  }
0x8f: {  	v7 =	vadd.f32 v8, v7;
	v8 =	vmul.f32 v9, v9;
	_ =	sdelay $0x1  }
0x90: {  	v7 =	vadd.f32 v8, v7  }
0x91: {  	s17 =	sadd.s32 $0x60, s0;
	s16 =	spop (v2sf)  }
0x92: {  	vm6 =	vle.f32 v7, $3.999999910e-02;
	v7 =	vor.u32 s17, v0;
	s2 =	sadd.s32 s2, s16  }
0x93: {  	[tilespmem:s2+$0x5480] =	vst.msk vm6, v7;
	v7 =	vmpcnt.ones.xlane vm6  }
0x94: {  	v8 =	vld [tilespmem:s31+$0xFFFFFFF0]  }
0x95: {  	(v2sf) =	vpush v7, $0x0;
	v7 =	vld [tilespmem:s30+$0xFFFFFFF0];
	_ =	sdelay $0x1  }
0x96: {  	v55 =	vld [tilespmem:s29+$0xFFFFFFF0];
	_ =	sdelay $0x2  }
0x97: {  	v8 =	vsub.f32 v8, v4;
	v7 =	vsub.f32 v7, v5;
	_ =	sdelay $0x1  }
0x98: {  	v9 =	vsub.f32 v55, v6;
	v8 =	vmul.f32 v8, v8;
	v7 =	vmul.f32 v7, v7;
	_ =	sdelay $0x1  }
0x99: {  	v7 =	vadd.f32 v7, v8;
	v8 =	vmul.f32 v9, v9;
	_ =	sdelay $0x1  }
0x9a: {  	v7 =	vadd.f32 v8, v7;
	_ =	sdelay $0x1  }
0x9b: {  	vm7 =	vle.f32 v7, $3.999999910e-02  }
0x9c: {  	v7 =	vmpcnt.ones.xlane vm7  }
0x9d: {  	s17 =	sadd.s32 $0x70, s0;
	s16 =	spop (v2sf)  }
0x9e: {  	v8 =	vor.u32 s17, v0;
	s2 =	sadd.s32 s2, s16;
	(v2sf) =	vpush v7, $0x0  }
0x9f: {  	[tilespmem:s2+$0x5480] =	vst.msk vm7, v8  }
0xa0: {  	v7 =	vld [tilespmem:s31+$0x0]  }
0xa1: {  	v8 =	vld [tilespmem:s30+$0x0];
	_ =	sdelay $0x1  }
0xa2: {  	v56 =	vld [tilespmem:s29+$0x0];
	_ =	sdelay $0x2  }
0xa3: {  	v7 =	vsub.f32 v7, v4;
	v8 =	vsub.f32 v8, v5;
	_ =	sdelay $0x1  }
0xa4: {  	v9 =	vsub.f32 v56, v6;
	v7 =	vmul.f32 v7, v7;
	v8 =	vmul.f32 v8, v8;
	_ =	sdelay $0x1  }
0xa5: {  	v7 =	vadd.f32 v8, v7;
	v8 =	vmul.f32 v9, v9;
	_ =	sdelay $0x1  }
0xa6: {  	v7 =	vadd.f32 v8, v7  }
0xa7: {  	s17 =	sadd.s32 $0x80, s0;
	s16 =	spop (v2sf)  }
0xa8: {  	vm8 =	vle.f32 v7, $3.999999910e-02;
	v7 =	vor.u32 s17, v0;
	s2 =	sadd.s32 s2, s16  }
0xa9: {  	[tilespmem:s2+$0x5480] =	vst.msk vm8, v7;
	v7 =	vmpcnt.ones.xlane vm8  }
0xaa: {  	v8 =	vld [tilespmem:s31+$0x10]  }
0xab: {  	(v2sf) =	vpush v7, $0x0;
	v7 =	vld [tilespmem:s30+$0x10];
	_ =	sdelay $0x1  }
0xac: {  	v57 =	vld [tilespmem:s29+$0x10];
	_ =	sdelay $0x2  }
0xad: {  	v8 =	vsub.f32 v8, v4;
	v7 =	vsub.f32 v7, v5;
	_ =	sdelay $0x1  }
0xae: {  	v9 =	vsub.f32 v57, v6;
	v8 =	vmul.f32 v8, v8;
	v7 =	vmul.f32 v7, v7;
	_ =	sdelay $0x1  }
0xaf: {  	v7 =	vadd.f32 v7, v8;
	v8 =	vmul.f32 v9, v9;
	_ =	sdelay $0x1  }
0xb0: {  	v7 =	vadd.f32 v8, v7;
	_ =	sdelay $0x1  }
0xb1: {  	vm9 =	vle.f32 v7, $3.999999910e-02  }
0xb2: {  	v7 =	vmpcnt.ones.xlane vm9  }
0xb3: {  	s17 =	sadd.s32 $0x90, s0;
	s16 =	spop (v2sf)  }
0xb4: {  	v8 =	vor.u32 s17, v0;
	s2 =	sadd.s32 s2, s16;
	(v2sf) =	vpush v7, $0x0  }
0xb5: {  	[tilespmem:s2+$0x5480] =	vst.msk vm9, v8  }
0xb6: {  	v7 =	vld [tilespmem:s31+$0x20]  }
0xb7: {  	v8 =	vld [tilespmem:s30+$0x20];
	_ =	sdelay $0x1  }
0xb8: {  	v58 =	vld [tilespmem:s29+$0x20];
	_ =	sdelay $0x2  }
0xb9: {  	v7 =	vsub.f32 v7, v4;
	v8 =	vsub.f32 v8, v5;
	_ =	sdelay $0x1  }
0xba: {  	v9 =	vsub.f32 v58, v6;
	v7 =	vmul.f32 v7, v7;
	v8 =	vmul.f32 v8, v8;
	_ =	sdelay $0x1  }
0xbb: {  	v7 =	vadd.f32 v8, v7;
	v8 =	vmul.f32 v9, v9;
	_ =	sdelay $0x1  }
0xbc: {  	v7 =	vadd.f32 v8, v7  }
0xbd: {  	s17 =	sadd.s32 $0xA0, s0;
	s16 =	spop (v2sf)  }
0xbe: {  	vm10 =	vle.f32 v7, $3.999999910e-02;
	v7 =	vor.u32 s17, v0;
	s2 =	sadd.s32 s2, s16  }
0xbf: {  	[tilespmem:s2+$0x5480] =	vst.msk vm10, v7;
	v7 =	vmpcnt.ones.xlane vm10  }
0xc0: {  	v8 =	vld [tilespmem:s31+$0x30]  }
0xc1: {  	(v2sf) =	vpush v7, $0x0;
	v7 =	vld [tilespmem:s30+$0x30];
	_ =	sdelay $0x1  }
0xc2: {  	v59 =	vld [tilespmem:s29+$0x30];
	_ =	sdelay $0x2  }
0xc3: {  	v8 =	vsub.f32 v8, v4;
	v7 =	vsub.f32 v7, v5;
	_ =	sdelay $0x1  }
0xc4: {  	v9 =	vsub.f32 v59, v6;
	v8 =	vmul.f32 v8, v8;
	v7 =	vmul.f32 v7, v7;
	_ =	sdelay $0x1  }
0xc5: {  	v7 =	vadd.f32 v7, v8;
	v8 =	vmul.f32 v9, v9;
	_ =	sdelay $0x1  }
0xc6: {  	v7 =	vadd.f32 v8, v7;
	_ =	sdelay $0x1  }
0xc7: {  	vm11 =	vle.f32 v7, $3.999999910e-02  }
0xc8: {  	v7 =	vmpcnt.ones.xlane vm11  }
0xc9: {  	s17 =	sadd.s32 $0xB0, s0;
	s16 =	spop (v2sf)  }
0xca: {  	v8 =	vor.u32 s17, v0;
	s2 =	sadd.s32 s2, s16;
	(v2sf) =	vpush v7, $0x0  }
0xcb: {  	[tilespmem:s2+$0x5480] =	vst.msk vm11, v8  }
0xcc: {  	v7 =	vld [tilespmem:s31+$0x40]  }
0xcd: {  	v8 =	vld [tilespmem:s30+$0x40];
	_ =	sdelay $0x1  }
0xce: {  	v60 =	vld [tilespmem:s29+$0x40];
	_ =	sdelay $0x2  }
0xcf: {  	v7 =	vsub.f32 v7, v4;
	v8 =	vsub.f32 v8, v5;
	_ =	sdelay $0x1  }
0xd0: {  	v9 =	vsub.f32 v60, v6;
	v7 =	vmul.f32 v7, v7;
	v8 =	vmul.f32 v8, v8;
	_ =	sdelay $0x1  }
0xd1: {  	v7 =	vadd.f32 v8, v7;
	v8 =	vmul.f32 v9, v9;
	_ =	sdelay $0x1  }
0xd2: {  	v7 =	vadd.f32 v8, v7  }
0xd3: {  	s17 =	sadd.s32 $0xC0, s0;
	s16 =	spop (v2sf)  }
0xd4: {  	vm12 =	vle.f32 v7, $3.999999910e-02;
	v7 =	vor.u32 s17, v0;
	s2 =	sadd.s32 s2, s16  }
0xd5: {  	[tilespmem:s2+$0x5480] =	vst.msk vm12, v7;
	v7 =	vmpcnt.ones.xlane vm12  }
0xd6: {  	v8 =	vld [tilespmem:s31+$0x50]  }
0xd7: {  	(v2sf) =	vpush v7, $0x0;
	v7 =	vld [tilespmem:s30+$0x50];
	_ =	sdelay $0x1  }
0xd8: {  	v61 =	vld [tilespmem:s29+$0x50];
	_ =	sdelay $0x2  }
0xd9: {  	v8 =	vsub.f32 v8, v4;
	v7 =	vsub.f32 v7, v5;
	_ =	sdelay $0x1  }
0xda: {  	v9 =	vsub.f32 v61, v6;
	v8 =	vmul.f32 v8, v8;
	v7 =	vmul.f32 v7, v7;
	_ =	sdelay $0x1  }
0xdb: {  	v7 =	vadd.f32 v7, v8;
	v8 =	vmul.f32 v9, v9;
	_ =	sdelay $0x1  }
0xdc: {  	v7 =	vadd.f32 v8, v7;
	_ =	sdelay $0x1  }
0xdd: {  	vm13 =	vle.f32 v7, $3.999999910e-02  }
0xde: {  	v7 =	vmpcnt.ones.xlane vm13  }
0xdf: {  	s17 =	sadd.s32 $0xD0, s0;
	s16 =	spop (v2sf)  }
0xe0: {  	v8 =	vor.u32 s17, v0;
	s2 =	sadd.s32 s2, s16;
	(v2sf) =	vpush v7, $0x0  }
0xe1: {  	[tilespmem:s2+$0x5480] =	vst.msk vm13, v8  }
0xe2: {  	v7 =	vld [tilespmem:s31+$0x60]  }
0xe3: {  	v8 =	vld [tilespmem:s30+$0x60];
	_ =	sdelay $0x1  }
0xe4: {  	v62 =	vld [tilespmem:s29+$0x60];
	_ =	sdelay $0x2  }
0xe5: {  	v7 =	vsub.f32 v7, v4;
	v8 =	vsub.f32 v8, v5;
	_ =	sdelay $0x1  }
0xe6: {  	v9 =	vsub.f32 v62, v6;
	v7 =	vmul.f32 v7, v7;
	v8 =	vmul.f32 v8, v8;
	_ =	sdelay $0x1  }
0xe7: {  	v7 =	vadd.f32 v8, v7;
	v8 =	vmul.f32 v9, v9;
	_ =	sdelay $0x1  }
0xe8: {  	v7 =	vadd.f32 v8, v7  }
0xe9: {  	s17 =	sadd.s32 $0xE0, s0;
	s16 =	spop (v2sf)  }
0xea: {  	vm14 =	vle.f32 v7, $3.999999910e-02;
	v7 =	vor.u32 s17, v0;
	s2 =	sadd.s32 s2, s16  }
0xeb: {  	[tilespmem:s2+$0x5480] =	vst.msk vm14, v7  }
0xec: {  	v7 =	vld [tilespmem:s31+$0x70]  }
0xed: {  	v8 =	vld [tilespmem:s30+$0x70];
	_ =	sdelay $0x1  }
0xee: {  	v63 =	vld [tilespmem:s29+$0x70];
	_ =	sdelay $0x2  }
0xef: {  	v7 =	vsub.f32 v7, v4;
	v8 =	vsub.f32 v8, v5;
	_ =	sdelay $0x1  }
0xf0: {  	v9 =	vsub.f32 v63, v6;
	v7 =	vmul.f32 v7, v7;
	v8 =	vmul.f32 v8, v8;
	_ =	sdelay $0x1  }
0xf1: {  	v7 =	vadd.f32 v8, v7;
	v8 =	vmul.f32 v9, v9;
	_ =	sdelay $0x1  }
0xf2: {  	v7 =	vadd.f32 v8, v7;
	_ =	sdelay $0x1  }
0xf3: {  	v8 =	vmpcnt.ones.xlane vm14;
	vm15 =	vle.f32 v7, $3.999999910e-02  }
0xf4: {  	v7 =	vmpcnt.ones.xlane vm15  }
0xf5: {  	(v2sf) =	vpush v8, $0x0  }
0xf6: {  	(v2sf) =	vpush v7, $0x0;
	_ =	sdelay $0xb  }
.Ltmp5:
0xf7: {  	_ = 	snop;
	(pc) =	sbr.rel .LBB2_5-.Ltmp5, $4  }
0xf8: {  	_ = 	snop  }
0xf9: {  	s0 =	sadd.s32 $0xF0, s0;
	s17 =	spop (v2sf)  }
0xfa: {  	v7 =	vor.u32 s0, v0;
	s2 =	sadd.s32 s2, s17;
	s17 =	spop (v2sf)  }
0xfb: {  	[tilespmem:s2+$0x5480] =	vst.msk vm15, v7;
	s2 =	sadd.s32 s2, s17  }
.LBB2_7:
0xfc: {  	s0 =	simm.s32 $0x3480  }
0xfd: {  	[tilespmem:s23], [sflag:$0x1] =	stream.indirect.gather [hbm4b:s3+s22], $0x80, s0, s22, $0xb8;
	[tilespmem:$0xD600] =	vst v63  }
0xfe: {  	_ =	swait.ge [sflag:s24], $0x8000  }
0xff: {  	[sflag:s24] =	ssyncset.done $0x0  }
0x100: {  	[sflag:s24] =	ssyncadd.s32 $0xFFFF8000  }
0x101: {  	[hbm4b:s12+s1] =	stream.linear.scatter [tilespmem:s23], [sflag:$0x2], $0x8000, $0x38;
	[tilespmem:$0xD600] =	vst v63  }
0x102: {  	s2 =	simm.s32 $0x800;
	_ =	swait.ge [sflag:s15], $0x8000  }
0x103: {  	s26 =	simm.s32 $0x100;
	s0 =	sadd.s32 $0x4000, s12;
	[sflag:s15] =	ssyncset.done $0x0  }
.LBB2_8:
0x104: {  	s16 =	sadd.s32 $0x3480, s26  }
0x105: {  	[sflag:s15] =	ssyncadd.s32 $0xFFFF8000;
	s17 =	smov.u32 s2;
	s28 =	sadd.s32 $0x400, s2  }
0x106: {  	[tilespmem:s23], [sflag:$0x1] =	stream.indirect.gather [hbm4b:s3+s22], $0x80, s16, s22, $0xb8;
	[tilespmem:$0xD600] =	vst v63  }
0x107: {  	p0 =	sne.s32 s2, $0x7C00;
	_ =	swait.ge [sflag:s24], $0x8000  }
.Ltmp6:
0x108: {  	[sflag:s24] =	ssyncset.done $0x0;
	(pc) =	sbr.rel @p0 .LBB2_8-.Ltmp6, $4  }
0x109: {  	[sflag:s24] =	ssyncadd.s32 $0xFFFF8000  }
0x10a: {  	[hbm4b:s0+s1] =	stream.linear.scatter [tilespmem:s23], [sflag:$0x2], $0x8000, $0x38;
	[tilespmem:$0xD600] =	vst v63  }
0x10b: {  	s26 =	sshra.s32 s17, $0x2;
	_ =	swait.ge [sflag:s15], $0x8000  }
0x10c: {  	s2 =	smov.u32 s28;
	s0 =	sadd.s32 $0x4000, s0;
	[sflag:s15] =	ssyncset.done $0x0  }
0x10d: {  	s2 =	sadd.s32 $0x3480, s26;
	[sflag:s15] =	ssyncadd.s32 $0xFFFF8000  }
0x10e: {  	[tilespmem:s23], [sflag:$0x1] =	stream.indirect.gather [hbm4b:s3+s22], $0x80, s2, s22, $0xb8;
	[tilespmem:$0xD600] =	vst v63  }
0x10f: {  	s25 =	sadd.s32 $0x1, s25;
	_ =	swait.ge [sflag:s24], $0x8000  }
0x110: {  	p0 =	sne.s32 s25, s11;
	[sflag:s24] =	ssyncset.done $0x0  }
.Ltmp7:
0x111: {  	[sflag:s24] =	ssyncadd.s32 $0xFFFF8000;
	(pc) =	sbr.rel @p0 .LBB2_1-.Ltmp7, $4  }
0x112: {  	[hbm4b:s0+s1] =	stream.linear.scatter [tilespmem:s23], [sflag:$0x2], $0x8000, $0x38;
	[tilespmem:$0xD600] =	vst v63  }
0x113: {  	_ =	swait.ge [sflag:s15], $0x8000  }
0x114: {  	[sflag:s15] =	ssyncset.done $0x0  }
0x115: {  	[sflag:s15] =	ssyncadd.s32 $0xFFFF8000  }
0x116: {  	_ =	sfence.sel $0x180000  }
0x117: {  	[bflag:$0x0] =	sbarrier.arrive $0xFFFF  }
0x118: {  	_ =	strace $0x90000047  }
0x119: {  	s0 =	stileid.u32;
	[bflag:$0x2] =	sbarrier.arrive $0xFFFF  }
0x11a: {  	p0 =	sne.s32 s0, $0x0;
	s0 =	rddreg [dreg:$0x1]  }
0x11b: {  	s0 =	sadd.s32 @!p0 $0x100000, s0  }
0x11c: {  	[sflag:s0] =	ssyncadd.tile.s32 @!p0 $0x1;
	_ =	shalt  }
.Lfunc_end2:
_tile_overlayer_lowered:
.L_overlay_start_2:
0x11d: {  	(tag) =	ssettag $0x2  }
0x11e: {  	s0 =	rddreg [dreg:$0x0];
	s2 =	stileid.u32  }
0x11f: {  	s1 =	rddreg [dreg:$0x1];
	p0 =	sne.s32 s2, $0x0  }
0x120: {  	s3 =	rddreg [dreg:$0x2];
	[bflag:$0x3] =	sbarrier.arrive $0xFFFF;
	s2 =	simm.s32 @!p0 $0x1C02  }
0x121: {  	[timem:s3], [sflag:s2] =	dma.local @!p0 [hbm:s0], s1  }
0x122: {  	s0 =	simm.s32 @!p0 $0x2  }
0x123: {  	_ =	swait.ge @!p0 [sflag:s0], s1  }
0x124: {  	s1 =	ssub.s32 @!p0 $0x0, s1;
	[sflag:s0] =	ssyncset.done @!p0 $0x0  }
0x125: {  	[sflag:s0] =	ssyncadd.s32 @!p0 s1  }
0x126: {  	[bflag:$0x3] =	sbarrier.arrive $0xFFFF  }
0x127: {  	_ =	shalt  }

</sc_bundles>
